<compile_context>
chip_gen: v7x
topology: tpu7x:2x2x1
jax: 0.10.2.dev20260603
libtpu: 0.0.44.dev20260713+nightly
codegen_flags: <defaults>
</compile_context>

<pallas_src>
import functools

import jax
import jax.numpy as jnp
from jax import lax
from jax.experimental import pallas as pl
from jax.experimental.pallas import tpu as pltpu
from jax.experimental.pallas import tpu_sc as plsc

_N_CHANNELS = 384
_J = 128
_N_SPIKES = 2_000_000
_C = 96
_MIN_COVERAGE = 0.25

_NC, _NS, _L = 2, 16, 16
_NW = _NC * _NS

_VREGS = _N_SPIKES // (_NW * _L)
_WORDS_PER = _VREGS * _L
_TAIL_WORDS = _N_SPIKES - _NW * _WORDS_PER
_NCHUNK = 6
_CH_VREGS = _VREGS // _NCHUNK
_CH_WORDS = _CH_VREGS * _L
_UNROLL = 7
_CH_ITERS = _CH_VREGS // _UNROLL
_HIST = _L * _J

assert _CH_VREGS * _NCHUNK == _VREGS and _CH_ITERS * _UNROLL == _CH_VREGS


def _sc_hist(ids_lo):
    mesh = plsc.VectorSubcoreMesh(core_axis_name="c", subcore_axis_name="s")

    @functools.partial(
        pl.kernel,
        out_type=jax.ShapeDtypeStruct((_NW, _HIST), jnp.int32),
        mesh=mesh,
        scratch_types=[
            pltpu.VMEM((_CH_WORDS,), jnp.uint32),
            pltpu.VMEM((_CH_WORDS,), jnp.uint32),
            pltpu.VMEM((_CH_WORDS,), jnp.uint32),
            pltpu.VMEM((_HIST,), jnp.int32),
            pltpu.VMEM((_TAIL_WORDS,), jnp.uint32),
            pltpu.SemaphoreType.DMA,
            pltpu.SemaphoreType.DMA,
            pltpu.SemaphoreType.DMA,
        ],
        compiler_params=pltpu.CompilerParams(needs_layout_passes=False),
    )
    def k(ids_hbm, out_hbm, buf0, buf1, buf2, hist, tbuf, sem0, sem1, sem2):
        i32 = jnp.int32
        wid = (lax.axis_index("s") * i32(_NC) + lax.axis_index("c")).astype(i32)
        lane = lax.iota(i32, _L)
        ones = jnp.full((_L,), 1, i32)
        zeros = jnp.zeros((_L,), i32)
        base = wid * i32(_WORDS_PER)

        bufs = (buf0, buf1, buf2)
        sems = (sem0, sem1, sem2)

        def zbody(i, c):
            s = i * i32(_L * 8)
            for u in range(8):
                hist[pl.ds(s + i32(u * _L), _L)] = zeros
            return c

        lax.fori_loop(i32(0), i32(_HIST // (_L * 8)), zbody, i32(0))

        copies = [None] * _NCHUNK
        for j in range(2):
            copies[j] = pltpu.async_copy(
                ids_hbm.at[pl.ds(base + i32(j * _CH_WORDS), _CH_WORDS)],
                bufs[j % 3], sems[j % 3])
        for j in range(_NCHUNK):
            if j + 2 < _NCHUNK:
                copies[j + 2] = pltpu.async_copy(
                    ids_hbm.at[pl.ds(base + i32((j + 2) * _CH_WORDS),
                                     _CH_WORDS)],
                    bufs[(j + 2) % 3], sems[(j + 2) % 3])
            copies[j].wait()
            b = bufs[j % 3]

            @plsc.parallel_loop(i32(0), i32(_CH_VREGS), i32(1),
                                unroll=_UNROLL)
            def _(i, b=b):
                v = plsc.bitcast(b[pl.ds(i * i32(_L), _L)], jnp.int32)
                plsc.addupdate_scatter(hist, [(v << 4) + lane], ones)

        @pl.when(wid == 0)
        def _():
            pltpu.sync_copy(ids_hbm.at[pl.ds(_NW * _WORDS_PER, _TAIL_WORDS)],
                            tbuf)

            def tbody(i, c):
                v = plsc.bitcast(tbuf[pl.ds(i * i32(_L), _L)], jnp.int32)
                plsc.addupdate_scatter(hist, [(v << 4) + lane], ones)
                return c

            lax.fori_loop(i32(0), i32(_TAIL_WORDS // _L), tbody, i32(0))

        pltpu.sync_copy(hist, out_hbm.at[wid])

    return k(ids_lo)


def _tc_cov(channels_2d, indicators):

    def body(ch_ref, ind_ref, num_ref, cnt_ref):
        ioc = lax.broadcasted_iota(jnp.int32, (_C, _N_CHANNELS), 1)
        eq = (ch_ref[...] == ioc).astype(jnp.float32)
        w = jnp.sum(eq, axis=0, keepdims=True)
        num_ref[...] = jnp.dot(w, ind_ref[...],
                               precision=lax.Precision.HIGHEST,
                               preferred_element_type=jnp.float32)
        cnt_ref[...] = jnp.sum(ind_ref[...], axis=0, keepdims=True)

    return pl.pallas_call(
        body,
        out_shape=(
            jax.ShapeDtypeStruct((1, _J), jnp.float32),
            jax.ShapeDtypeStruct((1, _J), jnp.float32),
        ),
    )(channels_2d, indicators)


def _tc_finish(partials, num, counts):

    def body(parts_ref, num_ref, cnt_ref, cov_ref, covf_ref, nsp_ref):
        p = parts_ref[...].astype(jnp.float32)
        psum = jnp.sum(p, axis=0, keepdims=True)
        row = lax.broadcasted_iota(jnp.int32, (_HIST, _J), 0)
        col = lax.broadcasted_iota(jnp.int32, (_HIST, _J), 1)
        onehot = ((row >> 4) == col).astype(jnp.float32)
        pops_f = jnp.dot(psum, onehot,
                         precision=lax.Precision.HIGHEST,
                         preferred_element_type=jnp.float32)
        coverage = num_ref[...] / cnt_ref[...]
        covered = coverage >= _MIN_COVERAGE
        cov_ref[...] = coverage
        covf_ref[...] = covered.astype(jnp.float32)
        nsp_f = jnp.sum(jnp.where(covered, pops_f, jnp.zeros_like(pops_f)))
        nsp_ref[0, 0] = nsp_f.astype(jnp.int32)

    return pl.pallas_call(
        body,
        out_shape=(
            jax.ShapeDtypeStruct((1, _J), jnp.float32),
            jax.ShapeDtypeStruct((1, _J), jnp.float32),
            jax.ShapeDtypeStruct((1, 1), jnp.int32),
        ),
        out_specs=(
            pl.BlockSpec(memory_space=pltpu.VMEM),
            pl.BlockSpec(memory_space=pltpu.VMEM),
            pl.BlockSpec(memory_space=pltpu.SMEM),
        ),
    )(partials, num, counts)


def kernel(neighborhood_ids, neighborhoods, channels, indicators):
    ids_lo = neighborhood_ids.astype(jnp.uint32)
    ch2d = channels.astype(jnp.int32).reshape(_C, 1)
    partials = _sc_hist(ids_lo)
    num, counts = _tc_cov(ch2d, indicators)
    cov, covf, nsp = _tc_finish(partials, num, counts)
    return (cov.reshape(_J), covf.reshape(_J),
            nsp.reshape(()).astype(jnp.int64))

# --- scband reference (transcript-rebuilt; emitter-appended) ---
"""Pipeline reference for scband-spike-neighborhoods-76794015252563 (READ-ONLY COPY).

The authoritative reference and input builder live on the scoring server;
editing this copy changes nothing except your own understanding.
"""

import jax, jax.numpy as jnp
import numpy as np
jax.config.update("jax_enable_x64", True)

N_CHANNELS = 384
N_NEIGHBORHOODS = 128
NEIGHBORHOOD_SIZE = 40
N_SPIKES = 2000000
N_QUERY_CHANNELS = 96
MIN_COVERAGE = 0.25


def setup_inputs(seed: int = 0) -> dict:
    key = jax.random.key(seed)
    k1, k2, k3 = jax.random.split(key, 3)
    # per-spike neighborhood id (init arg of the torch module)
    neighborhood_ids = jax.random.randint(k1, (N_SPIKES,), 0, N_NEIGHBORHOODS, dtype=jnp.int64)
    # channels in each neighborhood (init arg; uniform-size 2D layout like from_channels)
    neighborhoods = jax.random.randint(k2, (N_NEIGHBORHOODS, NEIGHBORHOOD_SIZE), 0, N_CHANNELS, dtype=jnp.int64)
    # query channel set for subset_neighborhoods (the 'forward' call)
    channels = jax.random.randint(k3, (N_QUERY_CHANNELS,), 0, N_CHANNELS, dtype=jnp.int64)
    # indicators buffer, built exactly as in __init__ via scatter-overwrite:
    #   indicators[nhood[nhood < n_channels], j] = 1.0
    indicators = jnp.zeros((N_CHANNELS, N_NEIGHBORHOODS), dtype=jnp.float32)
    col = jnp.repeat(jnp.arange(N_NEIGHBORHOODS, dtype=jnp.int64), NEIGHBORHOOD_SIZE)
    row = neighborhoods.reshape(-1)
    indicators = indicators.at[row, col].set(1.0)
    return {
        "neighborhood_ids": neighborhood_ids,
        "neighborhoods": neighborhoods,
        "channels": channels,
        "indicators": indicators,
    }


def reference(neighborhood_ids, neighborhoods, channels, indicators):
    # __init__ buffers derived from indicators / neighborhood_ids
    channel_counts = indicators.sum(0)  # [J]
    # popcounts: number of member spikes per neighborhood (scatter-add over 2M ids)
    popcounts = jnp.bincount(neighborhood_ids, length=N_NEIGHBORHOODS)  # [J]
    # subset_neighborhoods(channels, min_coverage):
    inds = indicators[channels]                 # gather -> [C, J]
    coverage = inds.sum(0) / channel_counts     # [J]
    covered = coverage >= MIN_COVERAGE          # bool [J]
    # n_spikes = popcounts[covered_ids].sum()
    n_spikes = jnp.sum(jnp.where(covered, popcounts, jnp.zeros_like(popcounts)))
    return coverage, covered.astype(jnp.float32), n_spikes

if __name__ == "__main__":
    import jax
    _d = setup_inputs()
    print(jax.jit(kernel)(*tuple(_d.values())))

</pallas_src>

<mosaic_0001>
#map = affine_map<(d0, d1) -> (0)>
#map1 = affine_map<(d0, d1) -> (0, 0)>
module attributes {stable_mosaic.version = 14 : i64} {
  func.func @k(%arg0: i32, %arg1: i32, %arg2: memref<2000000xi32, #tpu.memory_space<hbm>>, %arg3: memref<32x2048xi32, #tpu.memory_space<hbm>>, %arg4: memref<10416xi32, #tpu.memory_space<vmem>>, %arg5: memref<10416xi32, #tpu.memory_space<vmem>>, %arg6: memref<10416xi32, #tpu.memory_space<vmem>>, %arg7: memref<2048xi32, #tpu.memory_space<vmem>>, %arg8: memref<128xi32, #tpu.memory_space<vmem>>, %arg9: memref<!tpu.dma_semaphore, #tpu.memory_space<semaphore_mem>>, %arg10: memref<!tpu.dma_semaphore, #tpu.memory_space<semaphore_mem>>, %arg11: memref<!tpu.dma_semaphore, #tpu.memory_space<semaphore_mem>>) attributes {dimension_semantics = [#tpu.dimension_semantics<core_parallel>, #tpu.dimension_semantics<subcore_parallel>], iteration_bounds = array<i64: 2, 16>, scalar_prefetch = 0 : i64, scratch_operands = 8 : i64, tpu.core_type = #tpu.core_type<sc_vector_subcore>, window_params = [{transform_indices = #map}, {transform_indices = #map1}]} {
    %mul3A = arith.constant 2 : i32
    %mul3A_0 = arith.muli %arg1, %mul3A : i32
    %add3A = arith.addi %mul3A_0, %arg0 : i32
    %iota3A = tpu.iota {dimensions = array<i32: 0>} : vector<16xi32>
    %broadcast_in_dim3A = arith.constant 1 : i32
    %broadcast_in_dim3A_1 = vector.broadcast %broadcast_in_dim3A : i32 to vector<16xi32>
    %broadcast_in_dim3A_2 = arith.constant 0 : i32
    %broadcast_in_dim3A_3 = vector.broadcast %broadcast_in_dim3A_2 : i32 to vector<16xi32>
    %mul3A_4 = arith.constant 62496 : i32
    %mul3A_5 = arith.muli %add3A, %mul3A_4 : i32
    %while3A = arith.constant 0 : i32
    %while3A_6 = arith.constant 0 : i32
    %while3A_7 = arith.constant 16 : i32
    %while3A_8 = arith.subi %while3A_7, %while3A_6 : i32
    %while3A_9 = arith.addi %while3A_6, %while3A_8 : i32
    %while3A_10 = arith.constant 1 : i32
    %while3A_11 = arith.divsi %while3A_8, %while3A_10 : i32
    %while3A_12 = arith.muli %while3A_11, %while3A_10 : i32
    %while3A_13 = arith.addi %while3A_6, %while3A_12 : i32
    %while3A_14 = arith.constant 1 : i32
    scf.for %while3A_69 = %while3A_6 to %while3A_13 step %while3A_14  : i32 {
      %mul3A_70 = arith.constant 128 : i32
      %mul3A_71 = arith.muli %while3A_69, %mul3A_70 : i32
      %add3A_72 = arith.constant 0 : i32
      %add3A_73 = arith.addi %mul3A_71, %add3A_72 : i32
      %swap3A = arith.index_cast %add3A_73 : i32 to index
      %swap3A_74 = tpu.vector_load %arg7[%swap3A] {strides = array<i32>} : memref<2048xi32, #tpu.memory_space<vmem>>, vector<16xi32>,
      tpu.vector_store %arg7[%swap3A], %broadcast_in_dim3A_3 {strides = array<i32>} : memref<2048xi32, #tpu.memory_space<vmem>>, vector<16xi32>,
      %add3A_75 = arith.constant 16 : i32
      %add3A_76 = arith.addi %mul3A_71, %add3A_75 : i32
      %swap3A_77 = arith.index_cast %add3A_76 : i32 to index
      %swap3A_78 = tpu.vector_load %arg7[%swap3A_77] {strides = array<i32>} : memref<2048xi32, #tpu.memory_space<vmem>>, vector<16xi32>,
      tpu.vector_store %arg7[%swap3A_77], %broadcast_in_dim3A_3 {strides = array<i32>} : memref<2048xi32, #tpu.memory_space<vmem>>, vector<16xi32>,
      %add3A_79 = arith.constant 32 : i32
      %add3A_80 = arith.addi %mul3A_71, %add3A_79 : i32
      %swap3A_81 = arith.index_cast %add3A_80 : i32 to index
      %swap3A_82 = tpu.vector_load %arg7[%swap3A_81] {strides = array<i32>} : memref<2048xi32, #tpu.memory_space<vmem>>, vector<16xi32>,
      tpu.vector_store %arg7[%swap3A_81], %broadcast_in_dim3A_3 {strides = array<i32>} : memref<2048xi32, #tpu.memory_space<vmem>>, vector<16xi32>,
      %add3A_83 = arith.constant 48 : i32
      %add3A_84 = arith.addi %mul3A_71, %add3A_83 : i32
      %swap3A_85 = arith.index_cast %add3A_84 : i32 to index
      %swap3A_86 = tpu.vector_load %arg7[%swap3A_85] {strides = array<i32>} : memref<2048xi32, #tpu.memory_space<vmem>>, vector<16xi32>,
      tpu.vector_store %arg7[%swap3A_85], %broadcast_in_dim3A_3 {strides = array<i32>} : memref<2048xi32, #tpu.memory_space<vmem>>, vector<16xi32>,
      %add3A_87 = arith.constant 64 : i32
      %add3A_88 = arith.addi %mul3A_71, %add3A_87 : i32
      %swap3A_89 = arith.index_cast %add3A_88 : i32 to index
      %swap3A_90 = tpu.vector_load %arg7[%swap3A_89] {strides = array<i32>} : memref<2048xi32, #tpu.memory_space<vmem>>, vector<16xi32>,
      tpu.vector_store %arg7[%swap3A_89], %broadcast_in_dim3A_3 {strides = array<i32>} : memref<2048xi32, #tpu.memory_space<vmem>>, vector<16xi32>,
      %add3A_91 = arith.constant 80 : i32
      %add3A_92 = arith.addi %mul3A_71, %add3A_91 : i32
      %swap3A_93 = arith.index_cast %add3A_92 : i32 to index
      %swap3A_94 = tpu.vector_load %arg7[%swap3A_93] {strides = array<i32>} : memref<2048xi32, #tpu.memory_space<vmem>>, vector<16xi32>,
      tpu.vector_store %arg7[%swap3A_93], %broadcast_in_dim3A_3 {strides = array<i32>} : memref<2048xi32, #tpu.memory_space<vmem>>, vector<16xi32>,
      %add3A_95 = arith.constant 96 : i32
      %add3A_96 = arith.addi %mul3A_71, %add3A_95 : i32
      %swap3A_97 = arith.index_cast %add3A_96 : i32 to index
      %swap3A_98 = tpu.vector_load %arg7[%swap3A_97] {strides = array<i32>} : memref<2048xi32, #tpu.memory_space<vmem>>, vector<16xi32>,
      tpu.vector_store %arg7[%swap3A_97], %broadcast_in_dim3A_3 {strides = array<i32>} : memref<2048xi32, #tpu.memory_space<vmem>>, vector<16xi32>,
      %add3A_99 = arith.constant 112 : i32
      %add3A_100 = arith.addi %mul3A_71, %add3A_99 : i32
      %swap3A_101 = arith.index_cast %add3A_100 : i32 to index
      %swap3A_102 = tpu.vector_load %arg7[%swap3A_101] {strides = array<i32>} : memref<2048xi32, #tpu.memory_space<vmem>>, vector<16xi32>,
      tpu.vector_store %arg7[%swap3A_101], %broadcast_in_dim3A_3 {strides = array<i32>} : memref<2048xi32, #tpu.memory_space<vmem>>, vector<16xi32>,
    }
    %while3A_15 = arith.constant 1 : i32
    scf.for %while3A_69 = %while3A_13 to %while3A_9 step %while3A_15  : i32 {
      %mul3A_70 = arith.constant 128 : i32
      %mul3A_71 = arith.muli %while3A_69, %mul3A_70 : i32
      %add3A_72 = arith.constant 0 : i32
      %add3A_73 = arith.addi %mul3A_71, %add3A_72 : i32
      %swap3A = arith.index_cast %add3A_73 : i32 to index
      %swap3A_74 = tpu.vector_load %arg7[%swap3A] {strides = array<i32>} : memref<2048xi32, #tpu.memory_space<vmem>>, vector<16xi32>,
      tpu.vector_store %arg7[%swap3A], %broadcast_in_dim3A_3 {strides = array<i32>} : memref<2048xi32, #tpu.memory_space<vmem>>, vector<16xi32>,
      %add3A_75 = arith.constant 16 : i32
      %add3A_76 = arith.addi %mul3A_71, %add3A_75 : i32
      %swap3A_77 = arith.index_cast %add3A_76 : i32 to index
      %swap3A_78 = tpu.vector_load %arg7[%swap3A_77] {strides = array<i32>} : memref<2048xi32, #tpu.memory_space<vmem>>, vector<16xi32>,
      tpu.vector_store %arg7[%swap3A_77], %broadcast_in_dim3A_3 {strides = array<i32>} : memref<2048xi32, #tpu.memory_space<vmem>>, vector<16xi32>,
      %add3A_79 = arith.constant 32 : i32
      %add3A_80 = arith.addi %mul3A_71, %add3A_79 : i32
      %swap3A_81 = arith.index_cast %add3A_80 : i32 to index
      %swap3A_82 = tpu.vector_load %arg7[%swap3A_81] {strides = array<i32>} : memref<2048xi32, #tpu.memory_space<vmem>>, vector<16xi32>,
      tpu.vector_store %arg7[%swap3A_81], %broadcast_in_dim3A_3 {strides = array<i32>} : memref<2048xi32, #tpu.memory_space<vmem>>, vector<16xi32>,
      %add3A_83 = arith.constant 48 : i32
      %add3A_84 = arith.addi %mul3A_71, %add3A_83 : i32
      %swap3A_85 = arith.index_cast %add3A_84 : i32 to index
      %swap3A_86 = tpu.vector_load %arg7[%swap3A_85] {strides = array<i32>} : memref<2048xi32, #tpu.memory_space<vmem>>, vector<16xi32>,
      tpu.vector_store %arg7[%swap3A_85], %broadcast_in_dim3A_3 {strides = array<i32>} : memref<2048xi32, #tpu.memory_space<vmem>>, vector<16xi32>,
      %add3A_87 = arith.constant 64 : i32
      %add3A_88 = arith.addi %mul3A_71, %add3A_87 : i32
      %swap3A_89 = arith.index_cast %add3A_88 : i32 to index
      %swap3A_90 = tpu.vector_load %arg7[%swap3A_89] {strides = array<i32>} : memref<2048xi32, #tpu.memory_space<vmem>>, vector<16xi32>,
      tpu.vector_store %arg7[%swap3A_89], %broadcast_in_dim3A_3 {strides = array<i32>} : memref<2048xi32, #tpu.memory_space<vmem>>, vector<16xi32>,
      %add3A_91 = arith.constant 80 : i32
      %add3A_92 = arith.addi %mul3A_71, %add3A_91 : i32
      %swap3A_93 = arith.index_cast %add3A_92 : i32 to index
      %swap3A_94 = tpu.vector_load %arg7[%swap3A_93] {strides = array<i32>} : memref<2048xi32, #tpu.memory_space<vmem>>, vector<16xi32>,
      tpu.vector_store %arg7[%swap3A_93], %broadcast_in_dim3A_3 {strides = array<i32>} : memref<2048xi32, #tpu.memory_space<vmem>>, vector<16xi32>,
      %add3A_95 = arith.constant 96 : i32
      %add3A_96 = arith.addi %mul3A_71, %add3A_95 : i32
      %swap3A_97 = arith.index_cast %add3A_96 : i32 to index
      %swap3A_98 = tpu.vector_load %arg7[%swap3A_97] {strides = array<i32>} : memref<2048xi32, #tpu.memory_space<vmem>>, vector<16xi32>,
      tpu.vector_store %arg7[%swap3A_97], %broadcast_in_dim3A_3 {strides = array<i32>} : memref<2048xi32, #tpu.memory_space<vmem>>, vector<16xi32>,
      %add3A_99 = arith.constant 112 : i32
      %add3A_100 = arith.addi %mul3A_71, %add3A_99 : i32
      %swap3A_101 = arith.index_cast %add3A_100 : i32 to index
      %swap3A_102 = tpu.vector_load %arg7[%swap3A_101] {strides = array<i32>} : memref<2048xi32, #tpu.memory_space<vmem>>, vector<16xi32>,
      tpu.vector_store %arg7[%swap3A_101], %broadcast_in_dim3A_3 {strides = array<i32>} : memref<2048xi32, #tpu.memory_space<vmem>>, vector<16xi32>,
    }
    %add3A_16 = arith.constant 0 : i32
    %add3A_17 = arith.addi %mul3A_5, %add3A_16 : i32
    %dma_start3A = tpu.memref_slice %arg2[%add3A_17] : memref<2000000xi32, #tpu.memory_space<hbm>> -> memref<10416xi32, #tpu.memory_space<hbm>>
    %dma_start3A_18 = tpu.memref_slice %arg2[%add3A_17] : memref<2000000xi32, #tpu.memory_space<hbm>> -> memref<10416xi32, #tpu.memory_space<hbm>>
    tpu.enqueue_dma source(%dma_start3A_18 : memref<10416xi32, #tpu.memory_space<hbm>>) target(%arg4 : memref<10416xi32, #tpu.memory_space<vmem>>) target_semaphore(%arg9 : memref<!tpu.dma_semaphore, #tpu.memory_space<semaphore_mem>>)
    %add3A_19 = arith.constant 10416 : i32
    %add3A_20 = arith.addi %mul3A_5, %add3A_19 : i32
    %dma_start3A_21 = tpu.memref_slice %arg2[%add3A_20] : memref<2000000xi32, #tpu.memory_space<hbm>> -> memref<10416xi32, #tpu.memory_space<hbm>>
    %dma_start3A_22 = tpu.memref_slice %arg2[%add3A_20] : memref<2000000xi32, #tpu.memory_space<hbm>> -> memref<10416xi32, #tpu.memory_space<hbm>>
    tpu.enqueue_dma source(%dma_start3A_22 : memref<10416xi32, #tpu.memory_space<hbm>>) target(%arg5 : memref<10416xi32, #tpu.memory_space<vmem>>) target_semaphore(%arg10 : memref<!tpu.dma_semaphore, #tpu.memory_space<semaphore_mem>>)
    %add3A_23 = arith.constant 20832 : i32
    %add3A_24 = arith.addi %mul3A_5, %add3A_23 : i32
    %dma_start3A_25 = tpu.memref_slice %arg2[%add3A_24] : memref<2000000xi32, #tpu.memory_space<hbm>> -> memref<10416xi32, #tpu.memory_space<hbm>>
    %dma_start3A_26 = tpu.memref_slice %arg2[%add3A_24] : memref<2000000xi32, #tpu.memory_space<hbm>> -> memref<10416xi32, #tpu.memory_space<hbm>>
    tpu.enqueue_dma source(%dma_start3A_26 : memref<10416xi32, #tpu.memory_space<hbm>>) target(%arg6 : memref<10416xi32, #tpu.memory_space<vmem>>) target_semaphore(%arg11 : memref<!tpu.dma_semaphore, #tpu.memory_space<semaphore_mem>>)
    %dma_wait3A = tpu.memref_slice %arg2[%add3A_17] : memref<2000000xi32, #tpu.memory_space<hbm>> -> memref<10416xi32, #tpu.memory_space<hbm>>
    %dma_wait3A_27 = tpu.memref_slice %arg2[%add3A_17] : memref<2000000xi32, #tpu.memory_space<hbm>> -> memref<10416xi32, #tpu.memory_space<hbm>>
    tpu.wait_dma2 semaphore(%arg9 : memref<!tpu.dma_semaphore, #tpu.memory_space<semaphore_mem>>) src(%dma_wait3A_27 : memref<10416xi32, #tpu.memory_space<hbm>>) dst(%arg4 : memref<10416xi32, #tpu.memory_space<vmem>>)
    %parallel_loop3A = arith.constant 0 : i32
    %parallel_loop3A_28 = arith.constant 651 : i32
    %parallel_loop3A_29 = arith.constant 1 : i32
    scf.for %parallel_loop3A_69 = %parallel_loop3A to %parallel_loop3A_28 step %parallel_loop3A_29  : i32 {
      %parallel_loop3A_70 = arith.constant 16 : i32
      %parallel_loop3A_71 = arith.muli %parallel_loop3A_69, %parallel_loop3A_70 : i32
      %parallel_loop3A_72 = arith.index_cast %parallel_loop3A_71 : i32 to index
      %parallel_loop3A_73 = tpu.vector_load %arg4[%parallel_loop3A_72] {strides = array<i32>} : memref<10416xi32, #tpu.memory_space<vmem>>, vector<16xi32>,
      %parallel_loop3A_74 = vector.bitcast %parallel_loop3A_73 : vector<16xi32> to vector<16xi32>
      %parallel_loop3A_75 = arith.constant 4 : i32
      %parallel_loop3A_76 = vector.broadcast %parallel_loop3A_75 : i32 to vector<16xi32>
      %parallel_loop3A_77 = arith.shli %parallel_loop3A_74, %parallel_loop3A_76 : vector<16xi32>
      %parallel_loop3A_78 = arith.addi %parallel_loop3A_77, %iota3A : vector<16xi32>
      tpu.vector_store_idx %arg7[%parallel_loop3A_78], %broadcast_in_dim3A_1 {add = true} : memref<2048xi32, #tpu.memory_space<vmem>>[vector<16xi32>], vector<16xi32>,
    } {sc.loop_unroll_factor = 7 : i64, sc.parallel_access}
    %add3A_30 = arith.constant 31248 : i32
    %add3A_31 = arith.addi %mul3A_5, %add3A_30 : i32
    %dma_start3A_32 = tpu.memref_slice %arg2[%add3A_31] : memref<2000000xi32, #tpu.memory_space<hbm>> -> memref<10416xi32, #tpu.memory_space<hbm>>
    %dma_start3A_33 = tpu.memref_slice %arg2[%add3A_31] : memref<2000000xi32, #tpu.memory_space<hbm>> -> memref<10416xi32, #tpu.memory_space<hbm>>
    tpu.enqueue_dma source(%dma_start3A_33 : memref<10416xi32, #tpu.memory_space<hbm>>) target(%arg4 : memref<10416xi32, #tpu.memory_space<vmem>>) target_semaphore(%arg9 : memref<!tpu.dma_semaphore, #tpu.memory_space<semaphore_mem>>)
    %dma_wait3A_34 = tpu.memref_slice %arg2[%add3A_20] : memref<2000000xi32, #tpu.memory_space<hbm>> -> memref<10416xi32, #tpu.memory_space<hbm>>
    %dma_wait3A_35 = tpu.memref_slice %arg2[%add3A_20] : memref<2000000xi32, #tpu.memory_space<hbm>> -> memref<10416xi32, #tpu.memory_space<hbm>>
    tpu.wait_dma2 semaphore(%arg10 : memref<!tpu.dma_semaphore, #tpu.memory_space<semaphore_mem>>) src(%dma_wait3A_35 : memref<10416xi32, #tpu.memory_space<hbm>>) dst(%arg5 : memref<10416xi32, #tpu.memory_space<vmem>>)
    %parallel_loop3A_36 = arith.constant 0 : i32
    %parallel_loop3A_37 = arith.constant 651 : i32
    %parallel_loop3A_38 = arith.constant 1 : i32
    scf.for %parallel_loop3A_69 = %parallel_loop3A_36 to %parallel_loop3A_37 step %parallel_loop3A_38  : i32 {
      %parallel_loop3A_70 = arith.constant 16 : i32
      %parallel_loop3A_71 = arith.muli %parallel_loop3A_69, %parallel_loop3A_70 : i32
      %parallel_loop3A_72 = arith.index_cast %parallel_loop3A_71 : i32 to index
      %parallel_loop3A_73 = tpu.vector_load %arg5[%parallel_loop3A_72] {strides = array<i32>} : memref<10416xi32, #tpu.memory_space<vmem>>, vector<16xi32>,
      %parallel_loop3A_74 = vector.bitcast %parallel_loop3A_73 : vector<16xi32> to vector<16xi32>
      %parallel_loop3A_75 = arith.constant 4 : i32
      %parallel_loop3A_76 = vector.broadcast %parallel_loop3A_75 : i32 to vector<16xi32>
      %parallel_loop3A_77 = arith.shli %parallel_loop3A_74, %parallel_loop3A_76 : vector<16xi32>
      %parallel_loop3A_78 = arith.addi %parallel_loop3A_77, %iota3A : vector<16xi32>
      tpu.vector_store_idx %arg7[%parallel_loop3A_78], %broadcast_in_dim3A_1 {add = true} : memref<2048xi32, #tpu.memory_space<vmem>>[vector<16xi32>], vector<16xi32>,
    } {sc.loop_unroll_factor = 7 : i64, sc.parallel_access}
    %add3A_39 = arith.constant 41664 : i32
    %add3A_40 = arith.addi %mul3A_5, %add3A_39 : i32
    %dma_start3A_41 = tpu.memref_slice %arg2[%add3A_40] : memref<2000000xi32, #tpu.memory_space<hbm>> -> memref<10416xi32, #tpu.memory_space<hbm>>
    %dma_start3A_42 = tpu.memref_slice %arg2[%add3A_40] : memref<2000000xi32, #tpu.memory_space<hbm>> -> memref<10416xi32, #tpu.memory_space<hbm>>
    tpu.enqueue_dma source(%dma_start3A_42 : memref<10416xi32, #tpu.memory_space<hbm>>) target(%arg5 : memref<10416xi32, #tpu.memory_space<vmem>>) target_semaphore(%arg10 : memref<!tpu.dma_semaphore, #tpu.memory_space<semaphore_mem>>)
    %dma_wait3A_43 = tpu.memref_slice %arg2[%add3A_24] : memref<2000000xi32, #tpu.memory_space<hbm>> -> memref<10416xi32, #tpu.memory_space<hbm>>
    %dma_wait3A_44 = tpu.memref_slice %arg2[%add3A_24] : memref<2000000xi32, #tpu.memory_space<hbm>> -> memref<10416xi32, #tpu.memory_space<hbm>>
    tpu.wait_dma2 semaphore(%arg11 : memref<!tpu.dma_semaphore, #tpu.memory_space<semaphore_mem>>) src(%dma_wait3A_44 : memref<10416xi32, #tpu.memory_space<hbm>>) dst(%arg6 : memref<10416xi32, #tpu.memory_space<vmem>>)
    %parallel_loop3A_45 = arith.constant 0 : i32
    %parallel_loop3A_46 = arith.constant 651 : i32
    %parallel_loop3A_47 = arith.constant 1 : i32
    scf.for %parallel_loop3A_69 = %parallel_loop3A_45 to %parallel_loop3A_46 step %parallel_loop3A_47  : i32 {
      %parallel_loop3A_70 = arith.constant 16 : i32
      %parallel_loop3A_71 = arith.muli %parallel_loop3A_69, %parallel_loop3A_70 : i32
      %parallel_loop3A_72 = arith.index_cast %parallel_loop3A_71 : i32 to index
      %parallel_loop3A_73 = tpu.vector_load %arg6[%parallel_loop3A_72] {strides = array<i32>} : memref<10416xi32, #tpu.memory_space<vmem>>, vector<16xi32>,
      %parallel_loop3A_74 = vector.bitcast %parallel_loop3A_73 : vector<16xi32> to vector<16xi32>
      %parallel_loop3A_75 = arith.constant 4 : i32
      %parallel_loop3A_76 = vector.broadcast %parallel_loop3A_75 : i32 to vector<16xi32>
      %parallel_loop3A_77 = arith.shli %parallel_loop3A_74, %parallel_loop3A_76 : vector<16xi32>
      %parallel_loop3A_78 = arith.addi %parallel_loop3A_77, %iota3A : vector<16xi32>
      tpu.vector_store_idx %arg7[%parallel_loop3A_78], %broadcast_in_dim3A_1 {add = true} : memref<2048xi32, #tpu.memory_space<vmem>>[vector<16xi32>], vector<16xi32>,
    } {sc.loop_unroll_factor = 7 : i64, sc.parallel_access}
    %add3A_48 = arith.constant 52080 : i32
    %add3A_49 = arith.addi %mul3A_5, %add3A_48 : i32
    %dma_start3A_50 = tpu.memref_slice %arg2[%add3A_49] : memref<2000000xi32, #tpu.memory_space<hbm>> -> memref<10416xi32, #tpu.memory_space<hbm>>
    %dma_start3A_51 = tpu.memref_slice %arg2[%add3A_49] : memref<2000000xi32, #tpu.memory_space<hbm>> -> memref<10416xi32, #tpu.memory_space<hbm>>
    tpu.enqueue_dma source(%dma_start3A_51 : memref<10416xi32, #tpu.memory_space<hbm>>) target(%arg6 : memref<10416xi32, #tpu.memory_space<vmem>>) target_semaphore(%arg11 : memref<!tpu.dma_semaphore, #tpu.memory_space<semaphore_mem>>)
    %dma_wait3A_52 = tpu.memref_slice %arg2[%add3A_31] : memref<2000000xi32, #tpu.memory_space<hbm>> -> memref<10416xi32, #tpu.memory_space<hbm>>
    %dma_wait3A_53 = tpu.memref_slice %arg2[%add3A_31] : memref<2000000xi32, #tpu.memory_space<hbm>> -> memref<10416xi32, #tpu.memory_space<hbm>>
    tpu.wait_dma2 semaphore(%arg9 : memref<!tpu.dma_semaphore, #tpu.memory_space<semaphore_mem>>) src(%dma_wait3A_53 : memref<10416xi32, #tpu.memory_space<hbm>>) dst(%arg4 : memref<10416xi32, #tpu.memory_space<vmem>>)
    %parallel_loop3A_54 = arith.constant 0 : i32
    %parallel_loop3A_55 = arith.constant 651 : i32
    %parallel_loop3A_56 = arith.constant 1 : i32
    scf.for %parallel_loop3A_69 = %parallel_loop3A_54 to %parallel_loop3A_55 step %parallel_loop3A_56  : i32 {
      %parallel_loop3A_70 = arith.constant 16 : i32
      %parallel_loop3A_71 = arith.muli %parallel_loop3A_69, %parallel_loop3A_70 : i32
      %parallel_loop3A_72 = arith.index_cast %parallel_loop3A_71 : i32 to index
      %parallel_loop3A_73 = tpu.vector_load %arg4[%parallel_loop3A_72] {strides = array<i32>} : memref<10416xi32, #tpu.memory_space<vmem>>, vector<16xi32>,
      %parallel_loop3A_74 = vector.bitcast %parallel_loop3A_73 : vector<16xi32> to vector<16xi32>
      %parallel_loop3A_75 = arith.constant 4 : i32
      %parallel_loop3A_76 = vector.broadcast %parallel_loop3A_75 : i32 to vector<16xi32>
      %parallel_loop3A_77 = arith.shli %parallel_loop3A_74, %parallel_loop3A_76 : vector<16xi32>
      %parallel_loop3A_78 = arith.addi %parallel_loop3A_77, %iota3A : vector<16xi32>
      tpu.vector_store_idx %arg7[%parallel_loop3A_78], %broadcast_in_dim3A_1 {add = true} : memref<2048xi32, #tpu.memory_space<vmem>>[vector<16xi32>], vector<16xi32>,
    } {sc.loop_unroll_factor = 7 : i64, sc.parallel_access}
    %dma_wait3A_57 = tpu.memref_slice %arg2[%add3A_40] : memref<2000000xi32, #tpu.memory_space<hbm>> -> memref<10416xi32, #tpu.memory_space<hbm>>
    %dma_wait3A_58 = tpu.memref_slice %arg2[%add3A_40] : memref<2000000xi32, #tpu.memory_space<hbm>> -> memref<10416xi32, #tpu.memory_space<hbm>>
    tpu.wait_dma2 semaphore(%arg10 : memref<!tpu.dma_semaphore, #tpu.memory_space<semaphore_mem>>) src(%dma_wait3A_58 : memref<10416xi32, #tpu.memory_space<hbm>>) dst(%arg5 : memref<10416xi32, #tpu.memory_space<vmem>>)
    %parallel_loop3A_59 = arith.constant 0 : i32
    %parallel_loop3A_60 = arith.constant 651 : i32
    %parallel_loop3A_61 = arith.constant 1 : i32
    scf.for %parallel_loop3A_69 = %parallel_loop3A_59 to %parallel_loop3A_60 step %parallel_loop3A_61  : i32 {
      %parallel_loop3A_70 = arith.constant 16 : i32
      %parallel_loop3A_71 = arith.muli %parallel_loop3A_69, %parallel_loop3A_70 : i32
      %parallel_loop3A_72 = arith.index_cast %parallel_loop3A_71 : i32 to index
      %parallel_loop3A_73 = tpu.vector_load %arg5[%parallel_loop3A_72] {strides = array<i32>} : memref<10416xi32, #tpu.memory_space<vmem>>, vector<16xi32>,
      %parallel_loop3A_74 = vector.bitcast %parallel_loop3A_73 : vector<16xi32> to vector<16xi32>
      %parallel_loop3A_75 = arith.constant 4 : i32
      %parallel_loop3A_76 = vector.broadcast %parallel_loop3A_75 : i32 to vector<16xi32>
      %parallel_loop3A_77 = arith.shli %parallel_loop3A_74, %parallel_loop3A_76 : vector<16xi32>
      %parallel_loop3A_78 = arith.addi %parallel_loop3A_77, %iota3A : vector<16xi32>
      tpu.vector_store_idx %arg7[%parallel_loop3A_78], %broadcast_in_dim3A_1 {add = true} : memref<2048xi32, #tpu.memory_space<vmem>>[vector<16xi32>], vector<16xi32>,
    } {sc.loop_unroll_factor = 7 : i64, sc.parallel_access}
    %dma_wait3A_62 = tpu.memref_slice %arg2[%add3A_49] : memref<2000000xi32, #tpu.memory_space<hbm>> -> memref<10416xi32, #tpu.memory_space<hbm>>
    %dma_wait3A_63 = tpu.memref_slice %arg2[%add3A_49] : memref<2000000xi32, #tpu.memory_space<hbm>> -> memref<10416xi32, #tpu.memory_space<hbm>>
    tpu.wait_dma2 semaphore(%arg11 : memref<!tpu.dma_semaphore, #tpu.memory_space<semaphore_mem>>) src(%dma_wait3A_63 : memref<10416xi32, #tpu.memory_space<hbm>>) dst(%arg6 : memref<10416xi32, #tpu.memory_space<vmem>>)
    %parallel_loop3A_64 = arith.constant 0 : i32
    %parallel_loop3A_65 = arith.constant 651 : i32
    %parallel_loop3A_66 = arith.constant 1 : i32
    scf.for %parallel_loop3A_69 = %parallel_loop3A_64 to %parallel_loop3A_65 step %parallel_loop3A_66  : i32 {
      %parallel_loop3A_70 = arith.constant 16 : i32
      %parallel_loop3A_71 = arith.muli %parallel_loop3A_69, %parallel_loop3A_70 : i32
      %parallel_loop3A_72 = arith.index_cast %parallel_loop3A_71 : i32 to index
      %parallel_loop3A_73 = tpu.vector_load %arg6[%parallel_loop3A_72] {strides = array<i32>} : memref<10416xi32, #tpu.memory_space<vmem>>, vector<16xi32>,
      %parallel_loop3A_74 = vector.bitcast %parallel_loop3A_73 : vector<16xi32> to vector<16xi32>
      %parallel_loop3A_75 = arith.constant 4 : i32
      %parallel_loop3A_76 = vector.broadcast %parallel_loop3A_75 : i32 to vector<16xi32>
      %parallel_loop3A_77 = arith.shli %parallel_loop3A_74, %parallel_loop3A_76 : vector<16xi32>
      %parallel_loop3A_78 = arith.addi %parallel_loop3A_77, %iota3A : vector<16xi32>
      tpu.vector_store_idx %arg7[%parallel_loop3A_78], %broadcast_in_dim3A_1 {add = true} : memref<2048xi32, #tpu.memory_space<vmem>>[vector<16xi32>], vector<16xi32>,
    } {sc.loop_unroll_factor = 7 : i64, sc.parallel_access}
    %eq3A = arith.constant 0 : i32
    %eq3A_67 = arith.cmpi eq, %add3A, %eq3A : i32
    %convert_element_type3A = arith.extui %eq3A_67 : i1 to i32
    %cond3A = arith.constant 0 : i32
    %cond3A_68 = arith.cmpi ne, %convert_element_type3A, %cond3A : i32
    scf.if %cond3A_68 {
      "tpu.region"() ({
        %run_scoped3A = tpu.sem_alloc : memref<!tpu.dma_semaphore, #tpu.memory_space<semaphore_mem>>
        %dma_start3A_80 = arith.constant 1999872 : i32
        %dma_start3A_81 = tpu.memref_slice %arg2[%dma_start3A_80] : memref<2000000xi32, #tpu.memory_space<hbm>> -> memref<128xi32, #tpu.memory_space<hbm>>
        %dma_start3A_82 = arith.constant 1999872 : i32
        %dma_start3A_83 = tpu.memref_slice %arg2[%dma_start3A_82] : memref<2000000xi32, #tpu.memory_space<hbm>> -> memref<128xi32, #tpu.memory_space<hbm>>
        tpu.enqueue_dma source(%dma_start3A_83 : memref<128xi32, #tpu.memory_space<hbm>>) target(%arg8 : memref<128xi32, #tpu.memory_space<vmem>>) target_semaphore(%run_scoped3A : memref<!tpu.dma_semaphore, #tpu.memory_space<semaphore_mem>>)
        %dma_wait3A_84 = arith.constant 1999872 : i32
        %dma_wait3A_85 = tpu.memref_slice %arg2[%dma_wait3A_84] : memref<2000000xi32, #tpu.memory_space<hbm>> -> memref<128xi32, #tpu.memory_space<hbm>>
        %dma_wait3A_86 = arith.constant 1999872 : i32
        %dma_wait3A_87 = tpu.memref_slice %arg2[%dma_wait3A_86] : memref<2000000xi32, #tpu.memory_space<hbm>> -> memref<128xi32, #tpu.memory_space<hbm>>
        tpu.wait_dma2 semaphore(%run_scoped3A : memref<!tpu.dma_semaphore, #tpu.memory_space<semaphore_mem>>) src(%dma_wait3A_87 : memref<128xi32, #tpu.memory_space<hbm>>) dst(%arg8 : memref<128xi32, #tpu.memory_space<vmem>>)
        tpu.yield
      }) : () -> ()
      %while3A_69 = arith.constant 0 : i32
      %while3A_70 = arith.constant 0 : i32
      %while3A_71 = arith.constant 8 : i32
      %while3A_72 = arith.subi %while3A_71, %while3A_70 : i32
      %while3A_73 = arith.addi %while3A_70, %while3A_72 : i32
      %while3A_74 = arith.constant 1 : i32
      %while3A_75 = arith.divsi %while3A_72, %while3A_74 : i32
      %while3A_76 = arith.muli %while3A_75, %while3A_74 : i32
      %while3A_77 = arith.addi %while3A_70, %while3A_76 : i32
      %while3A_78 = arith.constant 1 : i32
      scf.for %while3A_80 = %while3A_70 to %while3A_77 step %while3A_78  : i32 {
        %mul3A_81 = arith.constant 16 : i32
        %mul3A_82 = arith.muli %while3A_80, %mul3A_81 : i32
        %get3A = arith.index_cast %mul3A_82 : i32 to index
        %get3A_83 = tpu.vector_load %arg8[%get3A] {strides = array<i32>} : memref<128xi32, #tpu.memory_space<vmem>>, vector<16xi32>,
        %bitcast3A = vector.bitcast %get3A_83 : vector<16xi32> to vector<16xi32>
        %shift_left3A = arith.constant 4 : i32
        %shift_left3A_84 = vector.broadcast %shift_left3A : i32 to vector<16xi32>
        %shift_left3A_85 = arith.shli %bitcast3A, %shift_left3A_84 : vector<16xi32>
        %add3A_86 = arith.addi %shift_left3A_85, %iota3A : vector<16xi32>
        tpu.vector_store_idx %arg7[%add3A_86], %broadcast_in_dim3A_1 {add = true} : memref<2048xi32, #tpu.memory_space<vmem>>[vector<16xi32>], vector<16xi32>,
      }
      %while3A_79 = arith.constant 1 : i32
      scf.for %while3A_80 = %while3A_77 to %while3A_73 step %while3A_79  : i32 {
        %mul3A_81 = arith.constant 16 : i32
        %mul3A_82 = arith.muli %while3A_80, %mul3A_81 : i32
        %get3A = arith.index_cast %mul3A_82 : i32 to index
        %get3A_83 = tpu.vector_load %arg8[%get3A] {strides = array<i32>} : memref<128xi32, #tpu.memory_space<vmem>>, vector<16xi32>,
        %bitcast3A = vector.bitcast %get3A_83 : vector<16xi32> to vector<16xi32>
        %shift_left3A = arith.constant 4 : i32
        %shift_left3A_84 = vector.broadcast %shift_left3A : i32 to vector<16xi32>
        %shift_left3A_85 = arith.shli %bitcast3A, %shift_left3A_84 : vector<16xi32>
        %add3A_86 = arith.addi %shift_left3A_85, %iota3A : vector<16xi32>
        tpu.vector_store_idx %arg7[%add3A_86], %broadcast_in_dim3A_1 {add = true} : memref<2048xi32, #tpu.memory_space<vmem>>[vector<16xi32>], vector<16xi32>,
      }
    } else {
    }
    "tpu.region"() ({
      %run_scoped3A = tpu.sem_alloc : memref<!tpu.dma_semaphore, #tpu.memory_space<semaphore_mem>>
      %dma_start3A_69 = arith.constant 0 : i32
      %dma_start3A_70 = tpu.memref_slice %arg3[%add3A, %dma_start3A_69] : memref<32x2048xi32, #tpu.memory_space<hbm>> -> memref<1x2048xi32, #tpu.memory_space<hbm>>
      %dma_start3A_71 = tpu.memref_squeeze %dma_start3A_70 : memref<1x2048xi32, #tpu.memory_space<hbm>> -> memref<2048xi32, #tpu.memory_space<hbm>>
      %dma_start3A_72 = arith.constant 0 : i32
      %dma_start3A_73 = tpu.memref_slice %arg3[%add3A, %dma_start3A_72] : memref<32x2048xi32, #tpu.memory_space<hbm>> -> memref<1x2048xi32, #tpu.memory_space<hbm>>
      %dma_start3A_74 = tpu.memref_squeeze %dma_start3A_73 : memref<1x2048xi32, #tpu.memory_space<hbm>> -> memref<2048xi32, #tpu.memory_space<hbm>>
      tpu.enqueue_dma source(%arg7 : memref<2048xi32, #tpu.memory_space<vmem>>) target(%dma_start3A_74 : memref<2048xi32, #tpu.memory_space<hbm>>) target_semaphore(%run_scoped3A : memref<!tpu.dma_semaphore, #tpu.memory_space<semaphore_mem>>)
      %dma_wait3A_75 = arith.constant 0 : i32
      %dma_wait3A_76 = tpu.memref_slice %arg3[%add3A, %dma_wait3A_75] : memref<32x2048xi32, #tpu.memory_space<hbm>> -> memref<1x2048xi32, #tpu.memory_space<hbm>>
      %dma_wait3A_77 = tpu.memref_squeeze %dma_wait3A_76 : memref<1x2048xi32, #tpu.memory_space<hbm>> -> memref<2048xi32, #tpu.memory_space<hbm>>
      %dma_wait3A_78 = arith.constant 0 : i32
      %dma_wait3A_79 = tpu.memref_slice %arg3[%add3A, %dma_wait3A_78] : memref<32x2048xi32, #tpu.memory_space<hbm>> -> memref<1x2048xi32, #tpu.memory_space<hbm>>
      %dma_wait3A_80 = tpu.memref_squeeze %dma_wait3A_79 : memref<1x2048xi32, #tpu.memory_space<hbm>> -> memref<2048xi32, #tpu.memory_space<hbm>>
      tpu.wait_dma2 semaphore(%run_scoped3A : memref<!tpu.dma_semaphore, #tpu.memory_space<semaphore_mem>>) src(%arg7 : memref<2048xi32, #tpu.memory_space<vmem>>) dst(%dma_wait3A_80 : memref<2048xi32, #tpu.memory_space<hbm>>)
      tpu.yield
    }) : () -> ()
    return
  }
}

module attributes {stable_mosaic.version = 14 : i64} {
  func.func @body(%arg0: memref<32x2048xi32, #tpu.memory_space<vmem>>, %arg1: memref<1x128xf32, #tpu.memory_space<vmem>>, %arg2: memref<1x128xf32, #tpu.memory_space<vmem>>, %arg3: memref<1x128xf32, #tpu.memory_space<vmem>>, %arg4: memref<1x128xf32, #tpu.memory_space<vmem>>, %arg5: memref<1x1xi32, #tpu.memory_space<smem>>) attributes {dimension_semantics = [], scalar_prefetch = 0 : i64, scratch_operands = 0 : i64, tpu.core_type = #tpu.core_type<tc>} {
    %get3A = arith.constant 0 : index
    %get3A_0 = arith.constant 0 : index
    %get3A_1 = vector.load %arg0[%get3A, %get3A_0] : memref<32x2048xi32, #tpu.memory_space<vmem>>, vector<32x2048xi32>
    %convert_element_type3A = arith.sitofp %get3A_1 : vector<32x2048xi32> to vector<32x2048xf32>
    %reduce_sum3A = arith.constant dense<0.000000e+00> : vector<2048xf32>
    %reduce_sum3A_2 = vector.multi_reduction <add>, %convert_element_type3A, %reduce_sum3A [0] : vector<32x2048xf32> to vector<2048xf32>
    %broadcast_in_dim3A = vector.shape_cast %reduce_sum3A_2 : vector<2048xf32> to vector<1x2048xf32>
    %iota3A = tpu.iota {dimensions = array<i32: 0>} : vector<2048x128xi32>
    %iota3A_3 = tpu.iota {dimensions = array<i32: 1>} : vector<2048x128xi32>
    %shift_right_arithmetic3A = arith.constant 4 : i32
    %shift_right_arithmetic3A_4 = vector.broadcast %shift_right_arithmetic3A : i32 to vector<2048x128xi32>
    %shift_right_arithmetic3A_5 = arith.shrsi %iota3A, %shift_right_arithmetic3A_4 : vector<2048x128xi32>
    %eq3A = arith.cmpi eq, %shift_right_arithmetic3A_5, %iota3A_3 : vector<2048x128xi32>
    %convert_element_type3A_6 = arith.extui %eq3A : vector<2048x128xi1> to vector<2048x128xi32>
    %convert_element_type3A_7 = arith.sitofp %convert_element_type3A_6 : vector<2048x128xi32> to vector<2048x128xf32>
    %dot_general3A = arith.constant dense<0.000000e+00> : vector<1x128xf32>
    %dot_general3A_8 = tpu.matmul %broadcast_in_dim3A, %convert_element_type3A_7, %dot_general3A {dimension_numbers = #tpu.dot_dimension_numbers<[1], [0], [0], [1], [0, 0, 1, 1], [], []>, precision = #tpu.contract_precision<fp32>, transpose_lhs_hint = false} : vector<1x2048xf32>, vector<2048x128xf32>, vector<1x128xf32> -> vector<1x128xf32>
    %get3A_9 = arith.constant 0 : index
    %get3A_10 = arith.constant 0 : index
    %get3A_11 = vector.load %arg1[%get3A_9, %get3A_10] : memref<1x128xf32, #tpu.memory_space<vmem>>, vector<1x128xf32>
    %get3A_12 = arith.constant 0 : index
    %get3A_13 = arith.constant 0 : index
    %get3A_14 = vector.load %arg2[%get3A_12, %get3A_13] : memref<1x128xf32, #tpu.memory_space<vmem>>, vector<1x128xf32>
    %div3A = arith.divf %get3A_11, %get3A_14 : vector<1x128xf32>
    %ge3A = arith.constant 2.500000e-01 : f32
    %ge3A_15 = vector.broadcast %ge3A : f32 to vector<1x128xf32>
    %ge3A_16 = arith.cmpf oge, %div3A, %ge3A_15 : vector<1x128xf32>
    %swap3A = arith.constant 0 : index
    %swap3A_17 = arith.constant 0 : index
    %swap3A_18 = vector.load %arg3[%swap3A, %swap3A_17] : memref<1x128xf32, #tpu.memory_space<vmem>>, vector<1x128xf32>
    tpu.vector_store %arg3[%swap3A, %swap3A_17], %div3A {strides = array<i32>} : memref<1x128xf32, #tpu.memory_space<vmem>>, vector<1x128xf32>,
    %convert_element_type3A_19 = arith.extui %ge3A_16 : vector<1x128xi1> to vector<1x128xi32>
    %convert_element_type3A_20 = arith.sitofp %convert_element_type3A_19 : vector<1x128xi32> to vector<1x128xf32>
    %swap3A_21 = arith.constant 0 : index
    %swap3A_22 = arith.constant 0 : index
    %swap3A_23 = vector.load %arg4[%swap3A_21, %swap3A_22] : memref<1x128xf32, #tpu.memory_space<vmem>>, vector<1x128xf32>
    tpu.vector_store %arg4[%swap3A_21, %swap3A_22], %convert_element_type3A_20 {strides = array<i32>} : memref<1x128xf32, #tpu.memory_space<vmem>>, vector<1x128xf32>,
    %broadcast_in_dim3A_24 = arith.constant 0.000000e+00 : f32
    %broadcast_in_dim3A_25 = vector.broadcast %broadcast_in_dim3A_24 : f32 to vector<1x128xf32>
    %select_n3A = arith.select %ge3A_16, %dot_general3A_8, %broadcast_in_dim3A_25 : vector<1x128xi1>, vector<1x128xf32>
    %reduce_sum3A_26 = vector.shape_cast %select_n3A : vector<1x128xf32> to vector<1x1x128xf32>
    %reduce_sum3A_27 = arith.constant dense<0.000000e+00> : vector<1xf32>
    %reduce_sum3A_28 = vector.multi_reduction <add>, %reduce_sum3A_26, %reduce_sum3A_27 [1, 2] : vector<1x1x128xf32> to vector<1xf32>
    %reduce_sum3A_29 = vector.shape_cast %reduce_sum3A_28 : vector<1xf32> to vector<1x1x1xf32>
    %reduce_sum3A_30 = vector.extract %reduce_sum3A_29[0, 0, 0] : f32 from vector<1x1x1xf32>
    %convert_element_type3A_31 = arith.fptosi %reduce_sum3A_30 : f32 to i32
    %swap3A_32 = arith.constant 0 : index
    %swap3A_33 = arith.constant 0 : index
    %swap3A_34 = memref.load %arg5[%swap3A_32, %swap3A_33] : memref<1x1xi32, #tpu.memory_space<smem>>
    memref.store %convert_element_type3A_31, %arg5[%swap3A_32, %swap3A_33] : memref<1x1xi32, #tpu.memory_space<smem>>
    return
  }
}

module attributes {stable_mosaic.version = 14 : i64} {
  func.func @body(%arg0: memref<96x1xi32, #tpu.memory_space<vmem>>, %arg1: memref<384x128xf32, #tpu.memory_space<vmem>>, %arg2: memref<1x128xf32, #tpu.memory_space<vmem>>, %arg3: memref<1x128xf32, #tpu.memory_space<vmem>>) attributes {dimension_semantics = [], scalar_prefetch = 0 : i64, scratch_operands = 0 : i64, tpu.core_type = #tpu.core_type<tc>} {
    %iota3A = tpu.iota {dimensions = array<i32: 1>} : vector<96x384xi32>
    %get3A = arith.constant 0 : index
    %get3A_0 = arith.constant 0 : index
    %get3A_1 = vector.load %arg0[%get3A, %get3A_0] : memref<96x1xi32, #tpu.memory_space<vmem>>, vector<96x1xi32>
    %eq3A = vector.broadcast %get3A_1 : vector<96x1xi32> to vector<96x384xi32>
    %eq3A_2 = arith.cmpi eq, %eq3A, %iota3A : vector<96x384xi32>
    %convert_element_type3A = arith.extui %eq3A_2 : vector<96x384xi1> to vector<96x384xi32>
    %convert_element_type3A_3 = arith.sitofp %convert_element_type3A : vector<96x384xi32> to vector<96x384xf32>
    %reduce_sum3A = arith.constant dense<0.000000e+00> : vector<384xf32>
    %reduce_sum3A_4 = vector.multi_reduction <add>, %convert_element_type3A_3, %reduce_sum3A [0] : vector<96x384xf32> to vector<384xf32>
    %broadcast_in_dim3A = vector.shape_cast %reduce_sum3A_4 : vector<384xf32> to vector<1x384xf32>
    %get3A_5 = arith.constant 0 : index
    %get3A_6 = arith.constant 0 : index
    %get3A_7 = vector.load %arg1[%get3A_5, %get3A_6] : memref<384x128xf32, #tpu.memory_space<vmem>>, vector<384x128xf32>
    %dot_general3A = arith.constant dense<0.000000e+00> : vector<1x128xf32>
    %dot_general3A_8 = tpu.matmul %broadcast_in_dim3A, %get3A_7, %dot_general3A {dimension_numbers = #tpu.dot_dimension_numbers<[1], [0], [0], [1], [0, 0, 1, 1], [], []>, precision = #tpu.contract_precision<fp32>, transpose_lhs_hint = false} : vector<1x384xf32>, vector<384x128xf32>, vector<1x128xf32> -> vector<1x128xf32>
    %swap3A = arith.constant 0 : index
    %swap3A_9 = arith.constant 0 : index
    %swap3A_10 = vector.load %arg2[%swap3A, %swap3A_9] : memref<1x128xf32, #tpu.memory_space<vmem>>, vector<1x128xf32>
    tpu.vector_store %arg2[%swap3A, %swap3A_9], %dot_general3A_8 {strides = array<i32>} : memref<1x128xf32, #tpu.memory_space<vmem>>, vector<1x128xf32>,
    %get3A_11 = arith.constant 0 : index
    %get3A_12 = arith.constant 0 : index
    %get3A_13 = vector.load %arg1[%get3A_11, %get3A_12] : memref<384x128xf32, #tpu.memory_space<vmem>>, vector<384x128xf32>
    %reduce_sum3A_14 = arith.constant dense<0.000000e+00> : vector<128xf32>
    %reduce_sum3A_15 = vector.multi_reduction <add>, %get3A_13, %reduce_sum3A_14 [0] : vector<384x128xf32> to vector<128xf32>
    %broadcast_in_dim3A_16 = vector.shape_cast %reduce_sum3A_15 : vector<128xf32> to vector<1x128xf32>
    %swap3A_17 = arith.constant 0 : index
    %swap3A_18 = arith.constant 0 : index
    %swap3A_19 = vector.load %arg3[%swap3A_17, %swap3A_18] : memref<1x128xf32, #tpu.memory_space<vmem>>, vector<1x128xf32>
    tpu.vector_store %arg3[%swap3A_17, %swap3A_18], %broadcast_in_dim3A_16 {strides = array<i32>} : memref<1x128xf32, #tpu.memory_space<vmem>>, vector<1x128xf32>,
    return
  }
}

</mosaic_0001>

<sc_bundles>
// kernel: kernel.5.cloned.1.call-start
scs
__scs_entry_jumppad:
0x0: {  	(pc) =	sbr.rel $0x88, $3  }
0x1: {  	(tag) =	ssettag $0x0;
	lr =	simm.s32 $0x1  }
0x2: {  	[smem:$0x3F9E] =	sst lr;
	_ =	strace $0xD0000000  }
0x3: {  	_ = 	snop  }
0x4: {  	_ = 	snop  }
0x5: {  	_ = 	snop  }
0x6: {  	_ = 	snop  }
0x7: {  	_ = 	snop  }
__scs_overlays_trampoline_lowered:
0x8: {  	[smem:$0x3FAD] =	sst s0  }
0x9: {  	[smem:$0x3FAE] =	sst s1  }
0xa: {  	[smem:$0x3FAF] =	sst s2  }
0xb: {  	[smem:$0x3FB0] =	sst s3  }
0xc: {  	[smem:$0x3FB1] =	sst s4  }
0xd: {  	[smem:$0x3FB2] =	sst s5  }
0xe: {  	[smem:$0x3FB3] =	sst s6  }
0xf: {  	[smem:$0x3FB4] =	sst s7  }
0x10: {  	[smem:$0x3FB5] =	sst s8  }
0x11: {  	[smem:$0x3FB6] =	sst s9;
	s0 =	simm.s32 @!p0 $0x0  }
0x12: {  	s1 =	sld [smem:$0x3F9C];
	s0 =	simm.s32 @p0 $0x1  }
0x13: {  	[smem:$0x3FB7] =	sst s0;
	s0 =	simm.s32 @!p1 $0x0  }
0x14: {  	s2 =	sld [smem:$0x3F9B];
	s0 =	simm.s32 @p1 $0x1  }
0x15: {  	[smem:$0x3FB8] =	sst s0;
	s0 =	simm.s32 @!p2 $0x0  }
0x16: {  	s3 =	sld [smem:$0x3FDB];
	s0 =	simm.s32 @p2 $0x1  }
0x17: {  	s4 =	simm.s32 $0x1BF5;
	[smem:$0x3FBA] =	sst s0  }
0x18: {  	s0 =	sld [smem:$0x3F9D];
	_ =	swait.ge [sflag:s4], $0x0  }
0x19: {  	s7 =	sld [smem:$0x3F9E]  }
0x1a: {  	s8 =	sadd.s32 $0xFFFFE003, lr  }
0x1b: {  	s9 =	sadd.s32 $0xFFFFFEF7, lr;
	s5 =	simm.s32 $0xFFFFFFFF;
	p2 =	slt.u32 s8, $0xFFFFF086  }
0x1c: {  	p1 =	slt.u32 s9, $0xF7A;
	s5 =	simm.s32 @!p2 $0x0  }
0x1d: {  	s5 =	simm.s32 @p1 $0x1;
	p0 =	seq.s32 s7, s2  }
0x1e: {  	s7 =	smul.u32 @!p0 $0xF7A, s2;
	p2 =	seq.s32 @!p0 s5, $0x0  }
0x1f: {  	s9 =	smul.u32 $0xF7A, s1;
	s8 =	simm.s32 @!p0 $0x1BF5;
	p2 =	por !p2, p0  }
0x20: {  	[sflag:s8] =	ssyncset.s32 @!p0 $0xFFFFF086;
	s6 =	sadd.s32 @!p0 s3, s7;
	s7 =	simm.s32 @!p0 $0x108  }
0x21: {  	s3 =	sadd.s32 s3, s9;
	s6 =	sadd.s32 @!p0 $0x88, s6;
	s7 =	simm.s32 @p2 $0x1082  }
0x22: {  	[simem:s7], [sflag:s8] =	dma.local @!p0 [hbm:s6], $0xF7A  }
0x23: {  	s9 =	sor.u32 $0xD0000000, s2;
	s6 =	simm.s32 $0x108;
	_ =	swait.ge @!p0 [sflag:s8], $0x0  }
0x24: {  	s3 =	sadd.s32 $0x88, s3;
	s6 =	simm.s32 @!p1 $0x1082;
	[sflag:s4] =	ssyncset.s32 $0xFFFFF086  }
0x25: {  	[simem:s6], [sflag:s4] =	dma.local [hbm:s3], $0xF7A  }
0x26: {  	[smem:$0x3F9E] =	sst s1;
	(tag) =	ssettag s2;
	_ =	strace s9  }
0x27: {  	s1 =	sld [smem:$0x3FAE]  }
0x28: {  	s2 =	sld [smem:$0x3FAF]  }
0x29: {  	s4 =	sld [smem:$0x3FB1]  }
0x2a: {  	p0 =	seq.s32 s5, $0x0;
	s5 =	sld [smem:$0x3FB2]  }
0x2b: {  	s6 =	sld [smem:$0x3FB3]  }
0x2c: {  	s7 =	sld [smem:$0x3FB4]  }
0x2d: {  	s3 =	simm.s32 $0x108;
	s8 =	sld [smem:$0x3FB5]  }
0x2e: {  	s3 =	simm.s32 @!p0 $0x1082;
	s9 =	sld [smem:$0x3FB6]  }
0x2f: {  	lr =	sadd.s32 s0, s3;
	s0 =	sld [smem:$0x3FAD]  }
0x30: {  	s3 =	sld [smem:$0x3FB0]  }
0x31: {  	[smem:$0x3FB9] =	sst s10  }
0x32: {  	s10 =	sld [smem:$0x3FB7];
	_ =	sdelay $0x3  }
0x33: {  	p0 =	seq.s32 s10, $0x1;
	s10 =	sld [smem:$0x3FB9];
	_ =	sdelay $0x3  }
0x34: {  	[smem:$0x3FB9] =	sst s10  }
0x35: {  	s10 =	sld [smem:$0x3FB8];
	_ =	sdelay $0x3  }
0x36: {  	p1 =	seq.s32 s10, $0x1;
	s10 =	sld [smem:$0x3FB9];
	_ =	sdelay $0x3  }
0x37: {  	[smem:$0x3FB9] =	sst s10  }
0x38: {  	s10 =	sld [smem:$0x3FBA]  }
0x39: {  	_ = 	snop;
	(pc) =	sbr.ind lr, $3  }
0x3a: {  	_ = 	snop  }
0x3b: {  	_ = 	snop  }
0x3c: {  	p2 =	seq.s32 s10, $0x1;
	s10 =	sld [smem:$0x3FB9]  }
0x3d: {  	_ =	shalt  }
0x3e: {  	_ =	shalt  }
0x3f: {  	_ =	shalt  }
0x40: {  	_ =	shalt  }
0x41: {  	_ =	shalt  }
0x42: {  	_ =	shalt  }
0x43: {  	_ =	shalt  }
0x44: {  	_ =	shalt  }
0x45: {  	_ =	shalt  }
0x46: {  	_ =	shalt  }
0x47: {  	_ =	shalt  }
0x48: {  	_ =	shalt  }
0x49: {  	_ =	shalt  }
0x4a: {  	_ =	shalt  }
0x4b: {  	_ =	shalt  }
0x4c: {  	_ =	shalt  }
0x4d: {  	_ =	shalt  }
0x4e: {  	_ =	shalt  }
0x4f: {  	_ =	shalt  }
0x50: {  	_ =	shalt  }
0x51: {  	_ =	shalt  }
0x52: {  	_ =	shalt  }
0x53: {  	_ =	shalt  }
0x54: {  	_ =	shalt  }
0x55: {  	_ =	shalt  }
0x56: {  	_ =	shalt  }
0x57: {  	_ =	shalt  }
0x58: {  	_ =	shalt  }
0x59: {  	_ =	shalt  }
0x5a: {  	_ =	shalt  }
0x5b: {  	_ =	shalt  }
0x5c: {  	_ =	shalt  }
0x5d: {  	_ =	shalt  }
0x5e: {  	_ =	shalt  }
0x5f: {  	_ =	shalt  }
0x60: {  	_ =	shalt  }
0x61: {  	_ =	shalt  }
0x62: {  	_ =	shalt  }
0x63: {  	_ =	shalt  }
0x64: {  	_ =	shalt  }
0x65: {  	_ =	shalt  }
0x66: {  	_ =	shalt  }
0x67: {  	_ =	shalt  }
0x68: {  	_ =	shalt  }
0x69: {  	_ =	shalt  }
0x6a: {  	_ =	shalt  }
0x6b: {  	_ =	shalt  }
0x6c: {  	_ =	shalt  }
0x6d: {  	_ =	shalt  }
0x6e: {  	_ =	shalt  }
0x6f: {  	_ =	shalt  }
0x70: {  	_ =	shalt  }
0x71: {  	_ =	shalt  }
0x72: {  	_ =	shalt  }
0x73: {  	_ =	shalt  }
0x74: {  	_ =	shalt  }
0x75: {  	_ =	shalt  }
0x76: {  	_ =	shalt  }
0x77: {  	_ =	shalt  }
0x78: {  	_ =	shalt  }
0x79: {  	_ =	shalt  }
0x7a: {  	_ =	shalt  }
0x7b: {  	_ =	shalt  }
0x7c: {  	_ =	shalt  }
0x7d: {  	_ =	shalt  }
0x7e: {  	_ =	shalt  }
0x7f: {  	_ =	shalt  }
0x80: {  	_ =	shalt  }
0x81: {  	_ =	shalt  }
0x82: {  	_ =	shalt  }
0x83: {  	_ =	shalt  }
0x84: {  	_ =	shalt  }
0x85: {  	_ =	shalt  }
0x86: {  	_ =	shalt  }
0x87: {  	_ =	shalt  }
.Lfunc_end0:
.L_simem_size_0:
called_computation_lowered:
.L_overlay_start_0:
0x88: {  	s2 =	sld [smem:$0x3FD9]  }
0x89: {  	s3 =	sld [smem:$0x3FFE];
	_ =	sdelay $0x1  }
0x8a: {  	s1 =	srdreg.scid  }
0x8b: {  	s0 =	sand.u32 $0x1, s1  }
0x8c: {  	s16 =	sshll.u32 s0, $0xA;
	s2 =	sadd.s32 s3, s2  }
0x8d: {  	s2 =	sadd.s32 s2, s16  }
0x8e: {  	[smem:$0x3FC5] =	sst s2  }
0x8f: {  	_ = 	snop  }
0x90: {  	(tm) =	ssettm $0x1  }
0x91: {  	s17 =	sld [smem:$0x3FFB];
	_ =	sdelay $0x3  }
0x92: {  	_ =	strace s17  }
0x93: {  	s2 =	sld [smem:$0x3FFC];
	_ =	sdelay $0x3  }
0x94: {  	_ =	strace s2  }
0x95: {  	s2 =	sld [smem:$0x3FFD];
	_ =	sdelay $0x3  }
0x96: {  	_ =	strace s2  }
0x97: {  	_ =	strace $0x8FFFFFFF  }
0x98: {  	s18 =	sld [smem:$0x3FDB];
	_ =	sdelay $0x1  }
0x99: {  	s19 =	simm.s32 $_scs_section_size  }
0x9a: {  	s4 =	simm.s32 $_size__tile_overlayer_lowered;
	s5 =	simm.s32 $_tile_overlayer_lowered  }
0x9b: {  	s22 =	simm.s32 $0x1BFF;
	s21 =	sshll.u32 s5, $0x1;
	s2 =	sadd.s32 s19, s18  }
0x9c: {  	s6 =	simm.s32 $0x0;
	s20 =	sshll.u32 s4, $0x1;
	s4 =	sadd.s32 s21, s2  }
0x9d: {  	[timem:s6], [sflag:s22] =	dma.local [hbm:s4], s20  }
0x9e: {  	_ =	swait.ge [sflag:s22], s20  }
0x9f: {  	s3 =	ssub.s32 $0x0, s20;
	[sflag:s22] =	ssyncset.done $0x0  }
0xa0: {  	[sflag:s22] =	ssyncadd.s32 s3;
	_ =	sdelay $0x1  }
0xa1: {  	s23 =	simm.s32 $0x1B8B  }
0xa2: {  	_ =	swait.ge [sflag:s23], $0x1  }
0xa3: {  	[sflag:s23] =	ssyncset.done $0x0  }
0xa4: {  	s25 =	simm.s32 $0x1B8E;
	s24 =	sld [smem:$0x3FFE];
	[sflag:s23] =	ssyncadd.s32 $0xFFFFFFFF  }
0xa5: {  	s26 =	simm.s32 $execute0_lowered;
	[smem:$0x3FD2] =	sst s25  }
0xa6: {  	s4 =	sshll.u32 s26, $0x1;
	_ =	strace $0x80000046;
	[dreg:$0x1] =	wrdreg $0xFFFFFFFF  }
0xa7: {  	s28 =	simm.s32 $_size_execute0_lowered;
	s2 =	sadd.s32 s2, s4;
	[dreg:$0x0] =	wrdreg $0x0  }
0xa8: {  	s4 =	sshll.u32 s28, $0x1;
	[dreg:$0x2] =	wrdreg s2  }
0xa9: {  	[dreg:$0x3] =	wrdreg s4  }
0xaa: {  	[dreg:$0x4] =	wrdreg $0xC0  }
0xab: {  	_ =	task [dreg:s6], $0x5FFFF  }
0xac: {  	[dreg:$0x1] =	wrdreg $0xFFFFFFFF  }
0xad: {  	[dreg:$0x0] =	wrdreg $0x60  }
0xae: {  	[dreg:$0x2] =	wrdreg s24  }
0xaf: {  	[dreg:$0x3] =	wrdreg $0x9  }
0xb0: {  	_ =	task.clear_ibuf [dreg:s6], $0x4FFFF;
	_ =	strace $0x90000046  }
0xb1: {  	s29 =	simm.s32 $0x9;
	_ =	strace $0x80000048  }
0xb2: {  	_ =	swait.ge [sflag:s29], $0x1  }
0xb3: {  	[sflag:s29] =	ssyncadd.s32 $0xFFFFFFFF  }
0xb4: {  	_ =	strace $0x90000048  }
0xb5: {  	_ =	sfence  }
0xb6: {  	s30 =	sld [smem:$0x0];
	_ =	sdelay $0x2  }
0xb7: {  	s31 =	sshll.u32 s1, $0xD;
	s1 =	sshrl.u32 s1, $0x2  }
0xb8: {  	s3 =	sand.u32 $0x4000, s31;
	s1 =	sadd.s32 s1, s30  }
0xb9: {  	s0 =	sor.u32 s3, s0;
	s1 =	sshll.u32 s1, $0x11  }
0xba: {  	s0 =	sor.u32 s1, s0  }
0xbb: {  	s0 =	sadd.s32 $0x8F2B, s0  }
0xbc: {  	[sflag:s0] =	ssyncadd.remote.s32 $0x1  }
0xbd: {  	_ =	sfence.sel $0xFFFF  }
0xbe: {  	[dreg:$0x0] =	wrdreg $0xFFFFFFFF;
	(pc) =	sbr.abs _section_cstart, $3  }
0xbf: {  	[dreg:$0x1] =	wrdreg $0xFFFFFFFF  }
0xc0: {  	_ =	task.clear_ibuf [dreg:s6], $0x2FFFF;
	_ =	strace $0x9FFFFFFF  }
0xc1: {  	(tm) =	ssettm $0x7FFFFFFF  }
tec
execute0_lowered:
.L_overlay_start_1:
0x0: {  	(tag) =	ssettag $0x1  }
0x1: {  	s1 =	srdreg.scid  }
0x2: {  	s0 =	stileid.u32;
	s9 =	rddreg [dreg:$0x0]  }
0x3: {  	s2 =	simm.s32 $0x0;
	s13 =	simm.s32 $0x5200;
	s14 =	simm.s32 $0x1  }
0x4: {  	s15 =	simm.s32 $0x7B00;
	s16 =	simm.s32 $0x2;
	s17 =	simm.s32 $0x3  }
0x5: {  	s19 =	simm.s32 $0x400;
	s20 =	simm.s32 $0x4;
	s21 =	simm.s32 $0x0  }
0x6: {  	s3 =	sand.u32 $0x1, s1;
	s4 =	sshll.u32 s0, $0x1;
	s1 =	rddreg [dreg:$0x1]  }
0x7: {  	[smem:$0x7FF] =	sst s2;
	s5 =	sshll.u32 s0, $0x9;
	s18 =	sor.u32 s3, s4  }
0x8: {  	_ =	strace $0x80000047;
	s5 =	sand.u32 $0x1800, s5;
	s3 =	ssub.s32 $0x2, s3  }
0x9: {  	s4 =	smul.u32 $0xF420, s18;
	s10 =	sadd.s32 s5, s9;
	s31 =	sshrl.u32 s3, $0x1  }
0xa: {  	s6 =	sshll.u32 s18, $0x4;
	p0 =	sne.s32 s18, $0x0;
	s18 =	simm.s32 $0x80  }
0xb: {  	s11 =	ssub.s32 s3, s31;
	s12 =	sand.u32 $0x70, s6;
	s4 =	sshrl.u32 s4, $0x3  }
0xc: {  	s10 =	sadd.s32 s12, s10;
	s11 =	smax.u32 s11, $0x1;
	s12 =	simm.s32 $0x2900  }
0xd: {  	s8 =	sadd.s32 s4, s9;
	s9 =	sadd.s32 $0x3DC80, s9;
	s10 =	sadd.s32 $0x3DE00, s10  }
0xe: {  	s3 =	sadd.s32 $0xC00, s8;
	s4 =	sadd.s32 $0x1116, s8;
	s5 =	sadd.s32 $0x162C, s8  }
0xf: {  	v0 =	vimm.s32 $0x0;
	v1 =	vlaneseq.u32;
	v2 =	vimm.s32 $0x1;
	s6 =	sadd.s32 $0x1B42, s8;
	s7 =	sadd.s32 $0x2058, s8;
	s8 =	sadd.s32 $0x256E, s8  }
.LBB2_1:
0x10: {  	s22 =	simm.s32 $0x0;
	s23 =	simm.s32 $0x200  }
.LBB2_2:
0x11: {  	p1 =	sne.s32 s23, $0x1E00;
	[tilespmem:s22+$0x7B70] =	vst v0  }
0x12: {  	[tilespmem:s22+$0x7B00] =	vst v0  }
0x13: {  	[tilespmem:s22+$0x7B10] =	vst v0  }
.Ltmp0:
0x14: {  	[tilespmem:s22+$0x7B20] =	vst v0;
	(pc) =	sbr.rel @p1 .LBB2_2-.Ltmp0, $4  }
0x15: {  	[tilespmem:s22+$0x7B30] =	vst v0  }
0x16: {  	[tilespmem:s22+$0x7B40] =	vst v0  }
0x17: {  	[tilespmem:s22+$0x7B50] =	vst v0  }
0x18: {  	[tilespmem:s22+$0x7B60] =	vst v0;
	s22 =	sshra.s32 s23, $0x2;
	s23 =	sadd.s32 $0x200, s23  }
0x19: {  	[tilespmem:s22+$0x7B70] =	vst v0  }
0x1a: {  	[tilespmem:s22+$0x7B00] =	vst v0  }
0x1b: {  	[tilespmem:s22+$0x7B10] =	vst v0  }
0x1c: {  	[tilespmem:s22+$0x7B20] =	vst v0  }
0x1d: {  	[tilespmem:s22+$0x7B30] =	vst v0  }
0x1e: {  	[tilespmem:s22+$0x7B40] =	vst v0  }
0x1f: {  	[tilespmem:s22+$0x7B50] =	vst v0  }
0x20: {  	[tilespmem:s22+$0x7B60] =	vst v0  }
0x21: {  	[tilespmem:s2], [sflag:$0x1] =	stream.linear.gather [hbm4b:s3+s2], $0x28B0, $0x38;
	[tilespmem:$0x8380] =	vst v63  }
0x22: {  	_ = 	snop  }
0x23: {  	[tilespmem:s12], [sflag:$0x2] =	stream.linear.gather [hbm4b:s4+s2], $0x28B0, $0x38;
	[tilespmem:$0x8380] =	vst v63  }
0x24: {  	_ = 	snop  }
0x25: {  	[tilespmem:s13], [sflag:$0x3] =	stream.linear.gather [hbm4b:s5+s2], $0x28B0, $0x38;
	[tilespmem:$0x8380] =	vst v63  }
0x26: {  	_ =	swait.ge [sflag:s14], $0x28B0  }
0x27: {  	[sflag:s14] =	ssyncset.done $0x0  }
0x28: {  	s31 =	simm.s32 $0x30;
	[sflag:s14] =	ssyncadd.s32 $0xFFFFD750  }
0x29: {  	v3 =	vld [tilespmem:s31+$0x30]  }
0x2a: {  	v4 =	vld [tilespmem:s31+$0xFFFFFFE0]  }
0x2b: {  	v5 =	vld [tilespmem:s31+$0xFFFFFFF0];
	_ =	sdelay $0x1  }
0x2c: {  	v6 =	vld [tilespmem:s31+$0x0]  }
0x2d: {  	v7 =	vld [tilespmem:s31+$0x10];
	v3 =	vshll.u32 v3, $0x4  }
0x2e: {  	v8 =	vld [tilespmem:s31+$0x20];
	v4 =	vshll.u32 v4, $0x4;
	v9 =	vor.u32 v1, v3  }
0x2f: {  	v10 =	vld [tilespmem:s31+$0xFFFFFFD0];
	v11 =	vor.u32 v1, v4;
	v3 =	vshll.u32 v5, $0x4  }
0x30: {  	v12 =	vor.u32 v1, v3;
	_ =	sdelay $0x2  }
0x31: {  	v4 =	vshll.u32 v7, $0x4;
	v5 =	vshll.u32 v8, $0x4;
	v3 =	vshll.u32 v6, $0x4;
	[tilespmem:v9+s15+$0x0] =	vst.idx.add.s32.msk $0xffff, v2  }
0x32: {  	v4 =	vor.u32 v1, v4;
	v6 =	vshll.u32 v10, $0x4;
	v5 =	vor.u32 v1, v5;
	[tilespmem:v11+s15+$0x0] =	vst.idx.add.s32.msk $0xffff, v2  }
0x33: {  	s22 =	simm.s32 $0x0;
	s23 =	simm.s32 $0xA0;
	v3 =	vor.u32 v1, v3;
	v6 =	vor.u32 v1, v6;
	[tilespmem:v12+s15+$0x0] =	vst.idx.add.s32.msk $0xffff, v2  }
.LBB2_4:
0x34: {  	v7 =	vld [tilespmem:s23+$0x30];
	s22 =	sadd.s32 $0x7, s22  }
0x35: {  	v8 =	vld [tilespmem:s23+$0xFFFFFFE0];
	p1 =	slt.u32 s22, $0x284  }
0x36: {  	v9 =	vld [tilespmem:s23+$0xFFFFFFF0]  }
0x37: {  	v10 =	vld [tilespmem:s23+$0x0]  }
0x38: {  	v11 =	vld [tilespmem:s23+$0x10]  }
0x39: {  	v12 =	vld [tilespmem:s23+$0x20];
	v7 =	vshll.u32 v7, $0x4  }
0x3a: {  	v13 =	vld [tilespmem:s23+$0xFFFFFFD0];
	v8 =	vshll.u32 v8, $0x4;
	v7 =	vor.u32 v1, v7  }
0x3b: {  	v8 =	vor.u32 v1, v8;
	v9 =	vshll.u32 v9, $0x4;
	[tilespmem:v6+s15+$0x0] =	vst.idx.add.s32.msk $0xffff, v2  }
0x3c: {  	v9 =	vor.u32 v1, v9;
	v6 =	vshll.u32 v10, $0x4;
	[tilespmem:v3+s15+$0x0] =	vst.idx.add.s32.msk $0xffff, v2  }
.Ltmp1:
0x3d: {  	v3 =	vor.u32 v1, v6;
	v6 =	vshll.u32 v11, $0x4;
	[tilespmem:v4+s15+$0x0] =	vst.idx.add.s32.msk $0xffff, v2;
	(pc) =	sbr.rel @p1 .LBB2_4-.Ltmp1, $4  }
0x3e: {  	v4 =	vor.u32 v1, v6;
	v6 =	vshll.u32 v12, $0x4;
	[tilespmem:v5+s15+$0x0] =	vst.idx.add.s32.msk $0xffff, v2  }
0x3f: {  	v10 =	vshll.u32 v13, $0x4;
	v5 =	vor.u32 v1, v6;
	[tilespmem:v7+s15+$0x0] =	vst.idx.add.s32.msk $0xffff, v2  }
0x40: {  	v6 =	vor.u32 v1, v10;
	[tilespmem:v8+s15+$0x0] =	vst.idx.add.s32.msk $0xffff, v2  }
0x41: {  	s23 =	sadd.s32 $0x70, s23;
	[tilespmem:v9+s15+$0x0] =	vst.idx.add.s32.msk $0xffff, v2  }
0x42: {  	_ =	sdelay $0x3  }
0x43: {  	[tilespmem:v6+s15+$0x0] =	vst.idx.add.s32.msk $0xffff, v2  }
0x44: {  	[tilespmem:v3+s15+$0x0] =	vst.idx.add.s32.msk $0xffff, v2  }
0x45: {  	[tilespmem:v4+s15+$0x0] =	vst.idx.add.s32.msk $0xffff, v2  }
0x46: {  	[tilespmem:v5+s15+$0x0] =	vst.idx.add.s32.msk $0xffff, v2  }
0x47: {  	[tilespmem:s2], [sflag:$0x1] =	stream.linear.gather [hbm4b:s6+s2], $0x28B0, $0x38;
	[tilespmem:$0x8380] =	vst v63  }
0x48: {  	_ =	swait.ge [sflag:s16], $0x28B0  }
0x49: {  	[sflag:s16] =	ssyncset.done $0x0  }
0x4a: {  	s22 =	simm.s32 $0x2930;
	[sflag:s16] =	ssyncadd.s32 $0xFFFFD750  }
0x4b: {  	v3 =	vld [tilespmem:s22+$0x30]  }
0x4c: {  	v4 =	vld [tilespmem:s22+$0xFFFFFFE0]  }
0x4d: {  	v5 =	vld [tilespmem:s22+$0xFFFFFFF0];
	_ =	sdelay $0x1  }
0x4e: {  	v6 =	vld [tilespmem:s22+$0x0]  }
0x4f: {  	v7 =	vld [tilespmem:s22+$0x10];
	v3 =	vshll.u32 v3, $0x4  }
0x50: {  	v8 =	vld [tilespmem:s22+$0x20];
	v4 =	vshll.u32 v4, $0x4;
	v9 =	vor.u32 v1, v3  }
0x51: {  	v10 =	vld [tilespmem:s22+$0xFFFFFFD0];
	v11 =	vor.u32 v1, v4;
	v3 =	vshll.u32 v5, $0x4  }
0x52: {  	v12 =	vor.u32 v1, v3;
	_ =	sdelay $0x2  }
0x53: {  	v4 =	vshll.u32 v7, $0x4;
	v5 =	vshll.u32 v8, $0x4;
	v3 =	vshll.u32 v6, $0x4;
	[tilespmem:v9+s15+$0x0] =	vst.idx.add.s32.msk $0xffff, v2  }
0x54: {  	v4 =	vor.u32 v1, v4;
	v6 =	vshll.u32 v10, $0x4;
	v5 =	vor.u32 v1, v5;
	[tilespmem:v11+s15+$0x0] =	vst.idx.add.s32.msk $0xffff, v2  }
0x55: {  	s23 =	simm.s32 $0x29A0;
	s22 =	simm.s32 $0x0;
	v3 =	vor.u32 v1, v3;
	v6 =	vor.u32 v1, v6;
	[tilespmem:v12+s15+$0x0] =	vst.idx.add.s32.msk $0xffff, v2  }
.LBB2_6:
0x56: {  	v7 =	vld [tilespmem:s23+$0x30];
	s22 =	sadd.s32 $0x7, s22  }
0x57: {  	v8 =	vld [tilespmem:s23+$0xFFFFFFE0];
	p1 =	slt.u32 s22, $0x284  }
0x58: {  	v9 =	vld [tilespmem:s23+$0xFFFFFFF0]  }
0x59: {  	v10 =	vld [tilespmem:s23+$0x0]  }
0x5a: {  	v11 =	vld [tilespmem:s23+$0x10]  }
0x5b: {  	v12 =	vld [tilespmem:s23+$0x20];
	v7 =	vshll.u32 v7, $0x4  }
0x5c: {  	v13 =	vld [tilespmem:s23+$0xFFFFFFD0];
	v8 =	vshll.u32 v8, $0x4;
	v7 =	vor.u32 v1, v7  }
0x5d: {  	v8 =	vor.u32 v1, v8;
	v9 =	vshll.u32 v9, $0x4;
	[tilespmem:v6+s15+$0x0] =	vst.idx.add.s32.msk $0xffff, v2  }
0x5e: {  	v9 =	vor.u32 v1, v9;
	v6 =	vshll.u32 v10, $0x4;
	[tilespmem:v3+s15+$0x0] =	vst.idx.add.s32.msk $0xffff, v2  }
.Ltmp2:
0x5f: {  	v3 =	vor.u32 v1, v6;
	v6 =	vshll.u32 v11, $0x4;
	[tilespmem:v4+s15+$0x0] =	vst.idx.add.s32.msk $0xffff, v2;
	(pc) =	sbr.rel @p1 .LBB2_6-.Ltmp2, $4  }
0x60: {  	v4 =	vor.u32 v1, v6;
	v6 =	vshll.u32 v12, $0x4;
	[tilespmem:v5+s15+$0x0] =	vst.idx.add.s32.msk $0xffff, v2  }
0x61: {  	v10 =	vshll.u32 v13, $0x4;
	v5 =	vor.u32 v1, v6;
	[tilespmem:v7+s15+$0x0] =	vst.idx.add.s32.msk $0xffff, v2  }
0x62: {  	v6 =	vor.u32 v1, v10;
	[tilespmem:v8+s15+$0x0] =	vst.idx.add.s32.msk $0xffff, v2  }
0x63: {  	s23 =	sadd.s32 $0x70, s23;
	[tilespmem:v9+s15+$0x0] =	vst.idx.add.s32.msk $0xffff, v2  }
0x64: {  	_ =	sdelay $0x3  }
0x65: {  	[tilespmem:v6+s15+$0x0] =	vst.idx.add.s32.msk $0xffff, v2  }
0x66: {  	[tilespmem:v3+s15+$0x0] =	vst.idx.add.s32.msk $0xffff, v2  }
0x67: {  	[tilespmem:v4+s15+$0x0] =	vst.idx.add.s32.msk $0xffff, v2  }
0x68: {  	[tilespmem:v5+s15+$0x0] =	vst.idx.add.s32.msk $0xffff, v2  }
0x69: {  	[tilespmem:s12], [sflag:$0x2] =	stream.linear.gather [hbm4b:s7+s2], $0x28B0, $0x38;
	[tilespmem:$0x8380] =	vst v63  }
0x6a: {  	_ =	swait.ge [sflag:s17], $0x28B0  }
0x6b: {  	[sflag:s17] =	ssyncset.done $0x0  }
0x6c: {  	s22 =	simm.s32 $0x5230;
	[sflag:s17] =	ssyncadd.s32 $0xFFFFD750  }
0x6d: {  	v3 =	vld [tilespmem:s22+$0x30]  }
0x6e: {  	v4 =	vld [tilespmem:s22+$0xFFFFFFE0]  }
0x6f: {  	v5 =	vld [tilespmem:s22+$0xFFFFFFF0];
	_ =	sdelay $0x1  }
0x70: {  	v6 =	vld [tilespmem:s22+$0x0]  }
0x71: {  	v7 =	vld [tilespmem:s22+$0x10];
	v3 =	vshll.u32 v3, $0x4  }
0x72: {  	v8 =	vld [tilespmem:s22+$0x20];
	v4 =	vshll.u32 v4, $0x4;
	v9 =	vor.u32 v1, v3  }
0x73: {  	v10 =	vld [tilespmem:s22+$0xFFFFFFD0];
	v11 =	vor.u32 v1, v4;
	v3 =	vshll.u32 v5, $0x4  }
0x74: {  	v12 =	vor.u32 v1, v3;
	_ =	sdelay $0x2  }
0x75: {  	v4 =	vshll.u32 v7, $0x4;
	v5 =	vshll.u32 v8, $0x4;
	v3 =	vshll.u32 v6, $0x4;
	[tilespmem:v9+s15+$0x0] =	vst.idx.add.s32.msk $0xffff, v2  }
0x76: {  	v4 =	vor.u32 v1, v4;
	v6 =	vshll.u32 v10, $0x4;
	v5 =	vor.u32 v1, v5;
	[tilespmem:v11+s15+$0x0] =	vst.idx.add.s32.msk $0xffff, v2  }
0x77: {  	s23 =	simm.s32 $0x52A0;
	s22 =	simm.s32 $0x0;
	v3 =	vor.u32 v1, v3;
	v6 =	vor.u32 v1, v6;
	[tilespmem:v12+s15+$0x0] =	vst.idx.add.s32.msk $0xffff, v2  }
.LBB2_8:
0x78: {  	v7 =	vld [tilespmem:s23+$0x30];
	s22 =	sadd.s32 $0x7, s22  }
0x79: {  	v8 =	vld [tilespmem:s23+$0xFFFFFFE0];
	p1 =	slt.u32 s22, $0x284  }
0x7a: {  	v9 =	vld [tilespmem:s23+$0xFFFFFFF0]  }
0x7b: {  	v10 =	vld [tilespmem:s23+$0x0]  }
0x7c: {  	v11 =	vld [tilespmem:s23+$0x10]  }
0x7d: {  	v12 =	vld [tilespmem:s23+$0x20];
	v7 =	vshll.u32 v7, $0x4  }
0x7e: {  	v13 =	vld [tilespmem:s23+$0xFFFFFFD0];
	v8 =	vshll.u32 v8, $0x4;
	v7 =	vor.u32 v1, v7  }
0x7f: {  	v8 =	vor.u32 v1, v8;
	v9 =	vshll.u32 v9, $0x4;
	[tilespmem:v6+s15+$0x0] =	vst.idx.add.s32.msk $0xffff, v2  }
0x80: {  	v9 =	vor.u32 v1, v9;
	v6 =	vshll.u32 v10, $0x4;
	[tilespmem:v3+s15+$0x0] =	vst.idx.add.s32.msk $0xffff, v2  }
.Ltmp3:
0x81: {  	v3 =	vor.u32 v1, v6;
	v6 =	vshll.u32 v11, $0x4;
	[tilespmem:v4+s15+$0x0] =	vst.idx.add.s32.msk $0xffff, v2;
	(pc) =	sbr.rel @p1 .LBB2_8-.Ltmp3, $4  }
0x82: {  	v4 =	vor.u32 v1, v6;
	v6 =	vshll.u32 v12, $0x4;
	[tilespmem:v5+s15+$0x0] =	vst.idx.add.s32.msk $0xffff, v2  }
0x83: {  	v10 =	vshll.u32 v13, $0x4;
	v5 =	vor.u32 v1, v6;
	[tilespmem:v7+s15+$0x0] =	vst.idx.add.s32.msk $0xffff, v2  }
0x84: {  	v6 =	vor.u32 v1, v10;
	[tilespmem:v8+s15+$0x0] =	vst.idx.add.s32.msk $0xffff, v2  }
0x85: {  	s23 =	sadd.s32 $0x70, s23;
	[tilespmem:v9+s15+$0x0] =	vst.idx.add.s32.msk $0xffff, v2  }
0x86: {  	_ =	sdelay $0x3  }
0x87: {  	[tilespmem:v6+s15+$0x0] =	vst.idx.add.s32.msk $0xffff, v2  }
0x88: {  	[tilespmem:v3+s15+$0x0] =	vst.idx.add.s32.msk $0xffff, v2  }
0x89: {  	[tilespmem:v4+s15+$0x0] =	vst.idx.add.s32.msk $0xffff, v2  }
0x8a: {  	[tilespmem:v5+s15+$0x0] =	vst.idx.add.s32.msk $0xffff, v2  }
0x8b: {  	[tilespmem:s13], [sflag:$0x3] =	stream.linear.gather [hbm4b:s8+s2], $0x28B0, $0x38;
	[tilespmem:$0x8380] =	vst v63  }
0x8c: {  	_ =	swait.ge [sflag:s14], $0x28B0  }
0x8d: {  	[sflag:s14] =	ssyncset.done $0x0  }
0x8e: {  	s22 =	simm.s32 $0x30;
	[sflag:s14] =	ssyncadd.s32 $0xFFFFD750  }
0x8f: {  	v3 =	vld [tilespmem:s22+$0x30]  }
0x90: {  	v4 =	vld [tilespmem:s22+$0xFFFFFFE0]  }
0x91: {  	v5 =	vld [tilespmem:s22+$0xFFFFFFF0];
	_ =	sdelay $0x1  }
0x92: {  	v6 =	vld [tilespmem:s22+$0x0]  }
0x93: {  	v7 =	vld [tilespmem:s22+$0x10];
	v3 =	vshll.u32 v3, $0x4  }
0x94: {  	v8 =	vld [tilespmem:s22+$0x20];
	v4 =	vshll.u32 v4, $0x4;
	v9 =	vor.u32 v1, v3  }
0x95: {  	v10 =	vld [tilespmem:s22+$0xFFFFFFD0];
	v11 =	vor.u32 v1, v4;
	v3 =	vshll.u32 v5, $0x4  }
0x96: {  	v12 =	vor.u32 v1, v3;
	_ =	sdelay $0x2  }
0x97: {  	v4 =	vshll.u32 v7, $0x4;
	v5 =	vshll.u32 v8, $0x4;
	v3 =	vshll.u32 v6, $0x4;
	[tilespmem:v9+s15+$0x0] =	vst.idx.add.s32.msk $0xffff, v2  }
0x98: {  	v4 =	vor.u32 v1, v4;
	v6 =	vshll.u32 v10, $0x4;
	v5 =	vor.u32 v1, v5;
	[tilespmem:v11+s15+$0x0] =	vst.idx.add.s32.msk $0xffff, v2  }
0x99: {  	s23 =	simm.s32 $0xA0;
	s22 =	simm.s32 $0x0;
	v3 =	vor.u32 v1, v3;
	v6 =	vor.u32 v1, v6;
	[tilespmem:v12+s15+$0x0] =	vst.idx.add.s32.msk $0xffff, v2  }
.LBB2_10:
0x9a: {  	v7 =	vld [tilespmem:s23+$0x30];
	s22 =	sadd.s32 $0x7, s22  }
0x9b: {  	v8 =	vld [tilespmem:s23+$0xFFFFFFE0];
	p1 =	slt.u32 s22, $0x284  }
0x9c: {  	v9 =	vld [tilespmem:s23+$0xFFFFFFF0]  }
0x9d: {  	v10 =	vld [tilespmem:s23+$0x0]  }
0x9e: {  	v11 =	vld [tilespmem:s23+$0x10]  }
0x9f: {  	v12 =	vld [tilespmem:s23+$0x20];
	v7 =	vshll.u32 v7, $0x4  }
0xa0: {  	v13 =	vld [tilespmem:s23+$0xFFFFFFD0];
	v8 =	vshll.u32 v8, $0x4;
	v7 =	vor.u32 v1, v7  }
0xa1: {  	v8 =	vor.u32 v1, v8;
	v9 =	vshll.u32 v9, $0x4;
	[tilespmem:v6+s15+$0x0] =	vst.idx.add.s32.msk $0xffff, v2  }
0xa2: {  	v9 =	vor.u32 v1, v9;
	v6 =	vshll.u32 v10, $0x4;
	[tilespmem:v3+s15+$0x0] =	vst.idx.add.s32.msk $0xffff, v2  }
.Ltmp4:
0xa3: {  	v3 =	vor.u32 v1, v6;
	v6 =	vshll.u32 v11, $0x4;
	[tilespmem:v4+s15+$0x0] =	vst.idx.add.s32.msk $0xffff, v2;
	(pc) =	sbr.rel @p1 .LBB2_10-.Ltmp4, $4  }
0xa4: {  	v4 =	vor.u32 v1, v6;
	v6 =	vshll.u32 v12, $0x4;
	[tilespmem:v5+s15+$0x0] =	vst.idx.add.s32.msk $0xffff, v2  }
0xa5: {  	v10 =	vshll.u32 v13, $0x4;
	v5 =	vor.u32 v1, v6;
	[tilespmem:v7+s15+$0x0] =	vst.idx.add.s32.msk $0xffff, v2  }
0xa6: {  	v6 =	vor.u32 v1, v10;
	[tilespmem:v8+s15+$0x0] =	vst.idx.add.s32.msk $0xffff, v2  }
0xa7: {  	s23 =	sadd.s32 $0x70, s23;
	[tilespmem:v9+s15+$0x0] =	vst.idx.add.s32.msk $0xffff, v2  }
0xa8: {  	_ =	sdelay $0x3  }
0xa9: {  	[tilespmem:v6+s15+$0x0] =	vst.idx.add.s32.msk $0xffff, v2  }
0xaa: {  	[tilespmem:v3+s15+$0x0] =	vst.idx.add.s32.msk $0xffff, v2  }
0xab: {  	[tilespmem:v4+s15+$0x0] =	vst.idx.add.s32.msk $0xffff, v2  }
0xac: {  	[tilespmem:v5+s15+$0x0] =	vst.idx.add.s32.msk $0xffff, v2  }
0xad: {  	_ =	swait.ge [sflag:s16], $0x28B0  }
0xae: {  	[sflag:s16] =	ssyncset.done $0x0  }
0xaf: {  	s22 =	simm.s32 $0x2930;
	[sflag:s16] =	ssyncadd.s32 $0xFFFFD750  }
0xb0: {  	v3 =	vld [tilespmem:s22+$0x30]  }
0xb1: {  	v4 =	vld [tilespmem:s22+$0xFFFFFFE0]  }
0xb2: {  	v5 =	vld [tilespmem:s22+$0xFFFFFFF0];
	_ =	sdelay $0x1  }
0xb3: {  	v6 =	vld [tilespmem:s22+$0x0]  }
0xb4: {  	v7 =	vld [tilespmem:s22+$0x10];
	v3 =	vshll.u32 v3, $0x4  }
0xb5: {  	v8 =	vld [tilespmem:s22+$0x20];
	v4 =	vshll.u32 v4, $0x4;
	v9 =	vor.u32 v1, v3  }
0xb6: {  	v10 =	vld [tilespmem:s22+$0xFFFFFFD0];
	v11 =	vor.u32 v1, v4;
	v3 =	vshll.u32 v5, $0x4  }
0xb7: {  	v12 =	vor.u32 v1, v3;
	_ =	sdelay $0x2  }
0xb8: {  	v4 =	vshll.u32 v7, $0x4;
	v5 =	vshll.u32 v8, $0x4;
	v3 =	vshll.u32 v6, $0x4;
	[tilespmem:v9+s15+$0x0] =	vst.idx.add.s32.msk $0xffff, v2  }
0xb9: {  	v4 =	vor.u32 v1, v4;
	v6 =	vshll.u32 v10, $0x4;
	v5 =	vor.u32 v1, v5;
	[tilespmem:v11+s15+$0x0] =	vst.idx.add.s32.msk $0xffff, v2  }
0xba: {  	s23 =	simm.s32 $0x29A0;
	s22 =	simm.s32 $0x0;
	v3 =	vor.u32 v1, v3;
	v6 =	vor.u32 v1, v6;
	[tilespmem:v12+s15+$0x0] =	vst.idx.add.s32.msk $0xffff, v2  }
.LBB2_12:
0xbb: {  	v7 =	vld [tilespmem:s23+$0x30];
	s22 =	sadd.s32 $0x7, s22  }
0xbc: {  	v8 =	vld [tilespmem:s23+$0xFFFFFFE0];
	p1 =	slt.u32 s22, $0x284  }
0xbd: {  	v9 =	vld [tilespmem:s23+$0xFFFFFFF0]  }
0xbe: {  	v10 =	vld [tilespmem:s23+$0x0]  }
0xbf: {  	v11 =	vld [tilespmem:s23+$0x10]  }
0xc0: {  	v12 =	vld [tilespmem:s23+$0x20];
	v7 =	vshll.u32 v7, $0x4  }
0xc1: {  	v13 =	vld [tilespmem:s23+$0xFFFFFFD0];
	v8 =	vshll.u32 v8, $0x4;
	v7 =	vor.u32 v1, v7  }
0xc2: {  	v8 =	vor.u32 v1, v8;
	v9 =	vshll.u32 v9, $0x4;
	[tilespmem:v6+s15+$0x0] =	vst.idx.add.s32.msk $0xffff, v2  }
0xc3: {  	v9 =	vor.u32 v1, v9;
	v6 =	vshll.u32 v10, $0x4;
	[tilespmem:v3+s15+$0x0] =	vst.idx.add.s32.msk $0xffff, v2  }
.Ltmp5:
0xc4: {  	v3 =	vor.u32 v1, v6;
	v6 =	vshll.u32 v11, $0x4;
	[tilespmem:v4+s15+$0x0] =	vst.idx.add.s32.msk $0xffff, v2;
	(pc) =	sbr.rel @p1 .LBB2_12-.Ltmp5, $4  }
0xc5: {  	v4 =	vor.u32 v1, v6;
	v6 =	vshll.u32 v12, $0x4;
	[tilespmem:v5+s15+$0x0] =	vst.idx.add.s32.msk $0xffff, v2  }
0xc6: {  	v10 =	vshll.u32 v13, $0x4;
	v5 =	vor.u32 v1, v6;
	[tilespmem:v7+s15+$0x0] =	vst.idx.add.s32.msk $0xffff, v2  }
0xc7: {  	v6 =	vor.u32 v1, v10;
	[tilespmem:v8+s15+$0x0] =	vst.idx.add.s32.msk $0xffff, v2  }
0xc8: {  	s23 =	sadd.s32 $0x70, s23;
	[tilespmem:v9+s15+$0x0] =	vst.idx.add.s32.msk $0xffff, v2  }
0xc9: {  	_ =	sdelay $0x3  }
0xca: {  	[tilespmem:v6+s15+$0x0] =	vst.idx.add.s32.msk $0xffff, v2  }
0xcb: {  	[tilespmem:v3+s15+$0x0] =	vst.idx.add.s32.msk $0xffff, v2  }
0xcc: {  	[tilespmem:v4+s15+$0x0] =	vst.idx.add.s32.msk $0xffff, v2  }
0xcd: {  	[tilespmem:v5+s15+$0x0] =	vst.idx.add.s32.msk $0xffff, v2  }
0xce: {  	_ =	swait.ge [sflag:s17], $0x28B0  }
0xcf: {  	[sflag:s17] =	ssyncset.done $0x0  }
0xd0: {  	s22 =	simm.s32 $0x5230;
	[sflag:s17] =	ssyncadd.s32 $0xFFFFD750  }
0xd1: {  	v3 =	vld [tilespmem:s22+$0x30]  }
0xd2: {  	v4 =	vld [tilespmem:s22+$0xFFFFFFE0]  }
0xd3: {  	v5 =	vld [tilespmem:s22+$0xFFFFFFF0];
	_ =	sdelay $0x1  }
0xd4: {  	v6 =	vld [tilespmem:s22+$0x0]  }
0xd5: {  	v7 =	vld [tilespmem:s22+$0x10];
	v3 =	vshll.u32 v3, $0x4  }
0xd6: {  	v8 =	vld [tilespmem:s22+$0x20];
	v4 =	vshll.u32 v4, $0x4;
	v9 =	vor.u32 v1, v3  }
0xd7: {  	v10 =	vld [tilespmem:s22+$0xFFFFFFD0];
	v11 =	vor.u32 v1, v4;
	v3 =	vshll.u32 v5, $0x4  }
0xd8: {  	v12 =	vor.u32 v1, v3;
	_ =	sdelay $0x2  }
0xd9: {  	v4 =	vshll.u32 v7, $0x4;
	v5 =	vshll.u32 v8, $0x4;
	v3 =	vshll.u32 v6, $0x4;
	[tilespmem:v9+s15+$0x0] =	vst.idx.add.s32.msk $0xffff, v2  }
0xda: {  	v4 =	vor.u32 v1, v4;
	v6 =	vshll.u32 v10, $0x4;
	v5 =	vor.u32 v1, v5;
	[tilespmem:v11+s15+$0x0] =	vst.idx.add.s32.msk $0xffff, v2  }
0xdb: {  	s23 =	simm.s32 $0x52A0;
	s22 =	simm.s32 $0x0;
	v3 =	vor.u32 v1, v3;
	v6 =	vor.u32 v1, v6;
	[tilespmem:v12+s15+$0x0] =	vst.idx.add.s32.msk $0xffff, v2  }
.LBB2_14:
0xdc: {  	v7 =	vld [tilespmem:s23+$0x30];
	s22 =	sadd.s32 $0x7, s22  }
0xdd: {  	v8 =	vld [tilespmem:s23+$0xFFFFFFE0];
	p1 =	slt.u32 s22, $0x284  }
0xde: {  	v9 =	vld [tilespmem:s23+$0xFFFFFFF0]  }
0xdf: {  	v10 =	vld [tilespmem:s23+$0x0]  }
0xe0: {  	v11 =	vld [tilespmem:s23+$0x10]  }
0xe1: {  	v12 =	vld [tilespmem:s23+$0x20];
	v7 =	vshll.u32 v7, $0x4  }
0xe2: {  	v13 =	vld [tilespmem:s23+$0xFFFFFFD0];
	v8 =	vshll.u32 v8, $0x4;
	v7 =	vor.u32 v1, v7  }
0xe3: {  	v8 =	vor.u32 v1, v8;
	v9 =	vshll.u32 v9, $0x4;
	[tilespmem:v6+s15+$0x0] =	vst.idx.add.s32.msk $0xffff, v2  }
0xe4: {  	v9 =	vor.u32 v1, v9;
	v6 =	vshll.u32 v10, $0x4;
	[tilespmem:v3+s15+$0x0] =	vst.idx.add.s32.msk $0xffff, v2  }
.Ltmp6:
0xe5: {  	v3 =	vor.u32 v1, v6;
	v6 =	vshll.u32 v11, $0x4;
	[tilespmem:v4+s15+$0x0] =	vst.idx.add.s32.msk $0xffff, v2;
	(pc) =	sbr.rel @p1 .LBB2_14-.Ltmp6, $4  }
0xe6: {  	v4 =	vor.u32 v1, v6;
	v6 =	vshll.u32 v12, $0x4;
	[tilespmem:v5+s15+$0x0] =	vst.idx.add.s32.msk $0xffff, v2  }
0xe7: {  	v10 =	vshll.u32 v13, $0x4;
	v5 =	vor.u32 v1, v6;
	[tilespmem:v7+s15+$0x0] =	vst.idx.add.s32.msk $0xffff, v2  }
0xe8: {  	v6 =	vor.u32 v1, v10;
	[tilespmem:v8+s15+$0x0] =	vst.idx.add.s32.msk $0xffff, v2  }
0xe9: {  	s23 =	sadd.s32 $0x70, s23;
	[tilespmem:v9+s15+$0x0] =	vst.idx.add.s32.msk $0xffff, v2  }
0xea: {  	_ =	sdelay $0x3  }
0xeb: {  	[tilespmem:v6+s15+$0x0] =	vst.idx.add.s32.msk $0xffff, v2  }
0xec: {  	[tilespmem:v3+s15+$0x0] =	vst.idx.add.s32.msk $0xffff, v2  }
0xed: {  	[tilespmem:v4+s15+$0x0] =	vst.idx.add.s32.msk $0xffff, v2  }
0xee: {  	[tilespmem:v5+s15+$0x0] =	vst.idx.add.s32.msk $0xffff, v2;
	s22 =	simm.s32 @!p0 $0x0;
	s23 =	simm.s32 @!p0 $0x8300  }
0xef: {  	[tilespmem:s23], [sflag:$0x4] =	stream.linear.gather @!p0 [hbm4b:s9+s22], $0x80, $0x38;
	[tilespmem:$0x8380] =	vst v63  }
0xf0: {  	s22 =	simm.s32 @!p0 $0x4  }
0xf1: {  	_ =	swait.ge @!p0 [sflag:s22], $0x80  }
0xf2: {  	[sflag:s22] =	ssyncset.done @!p0 $0x0  }
0xf3: {  	[sflag:s22] =	ssyncadd.s32 @!p0 $0xFFFFFF80  }
0xf4: {  	v3 =	vld @!p0 [tilespmem:$0x8300];
	_ =	sdelay $0x4  }
0xf5: {  	v4 =	vlaneseq.u32 @!p0;
	v3 =	vshll.u32 @!p0 v3, $0x4  }
0xf6: {  	v3 =	vor.u32 @!p0 v4, v3;
	_ =	sdelay $0x3  }
0xf7: {  	v5 =	vimm.s32 @!p0 $0x1;
	s22 =	simm.s32 @!p0 $0x7B00  }
0xf8: {  	[tilespmem:v3+s22+$0x0] =	vst.idx.add.s32.msk @!p0 $0xffff, v5  }
0xf9: {  	v3 =	vld @!p0 [tilespmem:$0x8310];
	_ =	sdelay $0x4  }
0xfa: {  	v3 =	vshll.u32 @!p0 v3, $0x4  }
0xfb: {  	v3 =	vor.u32 @!p0 v4, v3;
	_ =	sdelay $0x4  }
0xfc: {  	[tilespmem:v3+s22+$0x0] =	vst.idx.add.s32.msk @!p0 $0xffff, v5  }
0xfd: {  	v3 =	vld @!p0 [tilespmem:$0x8320];
	_ =	sdelay $0x4  }
0xfe: {  	v3 =	vshll.u32 @!p0 v3, $0x4  }
0xff: {  	v3 =	vor.u32 @!p0 v4, v3;
	_ =	sdelay $0x4  }
0x100: {  	[tilespmem:v3+s22+$0x0] =	vst.idx.add.s32.msk @!p0 $0xffff, v5  }
0x101: {  	v3 =	vld @!p0 [tilespmem:$0x8330];
	_ =	sdelay $0x4  }
0x102: {  	v3 =	vshll.u32 @!p0 v3, $0x4  }
0x103: {  	v3 =	vor.u32 @!p0 v4, v3;
	_ =	sdelay $0x4  }
0x104: {  	[tilespmem:v3+s22+$0x0] =	vst.idx.add.s32.msk @!p0 $0xffff, v5  }
0x105: {  	v3 =	vld @!p0 [tilespmem:$0x8340];
	_ =	sdelay $0x4  }
0x106: {  	v3 =	vshll.u32 @!p0 v3, $0x4  }
0x107: {  	v3 =	vor.u32 @!p0 v4, v3;
	_ =	sdelay $0x4  }
0x108: {  	[tilespmem:v3+s22+$0x0] =	vst.idx.add.s32.msk @!p0 $0xffff, v5  }
0x109: {  	v3 =	vld @!p0 [tilespmem:$0x8350];
	_ =	sdelay $0x4  }
0x10a: {  	v3 =	vshll.u32 @!p0 v3, $0x4  }
0x10b: {  	v3 =	vor.u32 @!p0 v4, v3;
	_ =	sdelay $0x4  }
0x10c: {  	[tilespmem:v3+s22+$0x0] =	vst.idx.add.s32.msk @!p0 $0xffff, v5  }
0x10d: {  	v3 =	vld @!p0 [tilespmem:$0x8360];
	_ =	sdelay $0x4  }
0x10e: {  	v3 =	vshll.u32 @!p0 v3, $0x4  }
0x10f: {  	v3 =	vor.u32 @!p0 v4, v3;
	_ =	sdelay $0x4  }
0x110: {  	[tilespmem:v3+s22+$0x0] =	vst.idx.add.s32.msk @!p0 $0xffff, v5  }
0x111: {  	v3 =	vld @!p0 [tilespmem:$0x8370];
	_ =	sdelay $0x4  }
0x112: {  	v3 =	vshll.u32 @!p0 v3, $0x4  }
0x113: {  	v3 =	vor.u32 @!p0 v4, v3;
	_ =	sdelay $0x2  }
0x114: {  	s21 =	sadd.s32 $0x1, s21  }
0x115: {  	p1 =	sne.s32 s21, s11  }
.Ltmp7:
0x116: {  	[tilespmem:v3+s22+$0x0] =	vst.idx.add.s32.msk @!p0 $0xffff, v5;
	(pc) =	sbr.rel @p1 .LBB2_1-.Ltmp7, $4  }
0x117: {  	[hbm4b:s10+s18] =	stream.strided.scatter [tilespmem:s15], [sflag:$0x4], $0x800, s19, s18, $0x38;
	[tilespmem:$0x8380] =	vst v63  }
0x118: {  	_ =	swait.ge [sflag:s20], $0x800  }
0x119: {  	[sflag:s20] =	ssyncset.done $0x0  }
0x11a: {  	[sflag:s20] =	ssyncadd.s32 $0xFFFFF800  }
0x11b: {  	_ =	sfence.sel $0x180000  }
0x11c: {  	[bflag:$0x0] =	sbarrier.arrive $0xFFFF  }
0x11d: {  	p0 =	sne.s32 s0, $0x0;
	_ =	strace $0x90000047  }
0x11e: {  	s0 =	sadd.s32 @!p0 $0x100000, s1;
	[bflag:$0x2] =	sbarrier.arrive $0xFFFF  }
0x11f: {  	[sflag:s0] =	ssyncadd.tile.s32 @!p0 $0x1;
	_ =	shalt  }
.Lfunc_end2:
_tile_overlayer_lowered:
.L_overlay_start_2:
0x120: {  	(tag) =	ssettag $0x2  }
0x121: {  	s0 =	rddreg [dreg:$0x0];
	s2 =	stileid.u32  }
0x122: {  	s1 =	rddreg [dreg:$0x1];
	p0 =	sne.s32 s2, $0x0  }
0x123: {  	s3 =	rddreg [dreg:$0x2];
	[bflag:$0x3] =	sbarrier.arrive $0xFFFF;
	s2 =	simm.s32 @!p0 $0x1C04  }
0x124: {  	[timem:s3], [sflag:s2] =	dma.local @!p0 [hbm:s0], s1  }
0x125: {  	s0 =	simm.s32 @!p0 $0x4  }
0x126: {  	_ =	swait.ge @!p0 [sflag:s0], s1  }
0x127: {  	s1 =	ssub.s32 @!p0 $0x0, s1;
	[sflag:s0] =	ssyncset.done @!p0 $0x0  }
0x128: {  	[sflag:s0] =	ssyncadd.s32 @!p0 s1  }
0x129: {  	[bflag:$0x3] =	sbarrier.arrive $0xFFFF  }
0x12a: {  	_ =	shalt  }

</sc_bundles>
